<compile_context>
chip_gen: v7x
topology: tpu7x:2x2x1
jax: 0.10.2.dev20260603
libtpu: 0.0.44.dev20260713+nightly
codegen_flags: <defaults>
</compile_context>

<pallas_src>
import functools

import jax
import jax.numpy as jnp
from jax import lax
from jax.experimental import pallas as pl
from jax.experimental.pallas import tpu as pltpu
from jax.experimental.pallas import tpu_sc as plsc

B = 8
D = 64
N = 2048
K = 20
NK = N * K
NTILES = 32
QP = NK // 4
CNT = float(B * N * K * D)


RB = 256


def _topk_body(xr_ref, xc_ref, idx_ref):
    xr = xr_ref[0]
    xc = xc_ref[0]
    m = lax.dot_general(xr, xc, (((0,), (0,)), ((), ())),
                        preferred_element_type=jnp.float32)
    inner = -2.0 * m
    xx_c = jnp.sum(xc * xc, axis=0, keepdims=True)
    ones = jnp.ones((D, 1), dtype=jnp.float32)
    xx_r = lax.dot_general(xr * xr, ones, (((0,), (0,)), ((), ())),
                           preferred_element_type=jnp.float32)
    dist = (-xx_c - inner) - xx_r
    lane = lax.broadcasted_iota(jnp.int32, (RB, N), 1)
    cols = []
    for _ in range(K):
        mx = jnp.max(dist, axis=1, keepdims=True)
        cand = jnp.where(dist == mx, lane, N)
        amin = jnp.min(cand, axis=1, keepdims=True)
        cols.append(amin)
        dist = jnp.where(lane == amin, -jnp.inf, dist)
    idx_ref[0, :, 0:K] = jnp.concatenate(cols, axis=1)


def _topk(x, interpret=False):
    return pl.pallas_call(
        _topk_body,
        grid=(B, N // RB),
        in_specs=[
            pl.BlockSpec((1, D, RB), lambda b, nb: (b, 0, nb)),
            pl.BlockSpec((1, D, N), lambda b, nb: (b, 0, 0)),
        ],
        out_specs=pl.BlockSpec((1, RB, 128), lambda b, nb: (b, nb, 0)),
        out_shape=jax.ShapeDtypeStruct((B, N, 128), jnp.int32),
        interpret=interpret,
    )(x, x)


NQ = N // 4


def _gather_body(x_hbm, idx_hbm, feat_hbm, stats_hbm,
                 idx2_v, ilin_v, xc0_v, xc1_v,
                 feat0_v, feat1_v, st_v,
                 seml0, seml1, semf0, semf1):
    nc = 2
    wid = lax.axis_index("s") * nc + lax.axis_index("c")
    b = lax.shift_right_logical(wid, 2)
    q = lax.bitwise_and(wid, 3)
    nq0 = q * NQ

    pltpu.async_copy(x_hbm.at[b, 0], xc0_v, seml0)
    pltpu.async_copy(x_hbm.at[b, 1], xc1_v, seml1)

    lane16 = lax.broadcasted_iota(jnp.int32, (16,), 0)

    pltpu.sync_copy(idx_hbm.at[b, pl.ds(nq0, NQ), :], idx2_v)

    def pre_body(t, _):
        j = lax.shift_right_logical(t, 5)
        ch = lax.bitwise_and(t, 31)
        nl16 = ch * 16 + lane16
        j16 = jnp.full((16,), 0, jnp.int32) + j
        ilin_v[pl.ds(t * 16, 16)] = plsc.load_gather(idx2_v, [nl16, j16])
        return 0

    lax.fori_loop(0, QP // 16, pre_body, 0)

    def chan_compute(xc_v, feat_v, carry):
        def pos_body(p, carry2):
            s2, ss2 = carry2
            o = p * 32
            row = lax.shift_right_logical(o, 9)
            col = lax.bitwise_and(o, 511)
            ia = ilin_v[pl.ds(o, 16)]
            ib = ilin_v[pl.ds(o + 16, 16)]
            g1a = plsc.load_gather(xc_v, [ia])
            g1b = plsc.load_gather(xc_v, [ib])
            xna = xc_v[pl.ds(nq0 + col, 16)]
            xnb = xc_v[pl.ds(nq0 + col + 16, 16)]
            da = g1a - xna
            db = g1b - xnb
            feat_v[row, pl.ds(col, 16)] = da
            feat_v[row, pl.ds(col + 16, 16)] = db
            return (s2 + da + db, ss2 + da * da + db * db)

        return lax.fori_loop(0, QP // 32, pos_body, carry)

    def half(g, c, carry, xc_v, feat_v, seml, semf, c_next):
        pltpu.make_async_copy(x_hbm.at[b, 0], xc_v, seml).wait()

        @pl.when(g > 0)
        def _():
            pltpu.make_async_copy(
                feat_v, feat_hbm.at[b, :, 0, pl.ds(0, NQ)], semf).wait()

        carry = chan_compute(xc_v, feat_v, carry)
        pltpu.async_copy(feat_v, feat_hbm.at[b, :, c, pl.ds(nq0, NQ)], semf)
        pltpu.async_copy(x_hbm.at[b, c_next], xc_v, seml)
        return carry

    def chan_body(g, carry):
        c0 = 2 * g
        c1 = 2 * g + 1
        carry = half(g, c0, carry, xc0_v, feat0_v, seml0, semf0,
                     jnp.minimum(c0 + 2, D - 1))
        carry = half(g, c1, carry, xc1_v, feat1_v, seml1, semf1,
                     jnp.minimum(c1 + 2, D - 1))
        return carry

    zero = jnp.zeros((16,), jnp.float32)
    s, ss = lax.fori_loop(0, D // 2, chan_body, (zero, zero))
    pltpu.make_async_copy(feat0_v, feat_hbm.at[b, :, 0, pl.ds(0, NQ)], semf0).wait()
    pltpu.make_async_copy(feat1_v, feat_hbm.at[b, :, 0, pl.ds(0, NQ)], semf1).wait()
    pltpu.make_async_copy(x_hbm.at[b, 0], xc0_v, seml0).wait()
    pltpu.make_async_copy(x_hbm.at[b, 0], xc1_v, seml1).wait()
    st_v[pl.ds(0, 16)] = s
    st_v[pl.ds(16, 16)] = ss
    pltpu.sync_copy(st_v, stats_hbm.at[wid])


def _gather(x, idx):
    mesh = plsc.VectorSubcoreMesh(core_axis_name="c", subcore_axis_name="s")
    fn = pl.kernel(
        _gather_body,
        out_type=(
            jax.ShapeDtypeStruct((B, K, D, N), jnp.float32),
            jax.ShapeDtypeStruct((NTILES, 32), jnp.float32),
        ),
        mesh=mesh,
        compiler_params=pltpu.CompilerParams(needs_layout_passes=False),
        scratch_types=[
            pltpu.VMEM((NQ, 128), jnp.int32),
            pltpu.VMEM((QP,), jnp.int32),
            pltpu.VMEM((N,), jnp.float32),
            pltpu.VMEM((N,), jnp.float32),
            pltpu.VMEM((K, NQ), jnp.float32),
            pltpu.VMEM((K, NQ), jnp.float32),
            pltpu.VMEM((32,), jnp.float32),
            pltpu.SemaphoreType.DMA,
            pltpu.SemaphoreType.DMA,
            pltpu.SemaphoreType.DMA,
            pltpu.SemaphoreType.DMA,
        ],
    )
    return fn(x, idx)


NB3 = 512


def _final_body(d_ref, x_ref, st_ref, a_ref, b_ref, out_ref):
    s = jnp.sum(st_ref[:, 0:16])
    ss = jnp.sum(st_ref[:, 16:32])
    var = (ss - s * s / CNT) / (CNT - 1.0)
    inv = 1.0 / (jnp.sqrt(var) + 1e-5)
    alpha = a_ref[...].reshape(1, D, 1)
    beta = b_ref[...].reshape(1, D, 1)
    out_ref[0, :, 0:D, :] = alpha * (d_ref[0] * inv) + beta
    out_ref[0, :, D:2 * D, :] = jnp.broadcast_to(
        x_ref[0][None, :, :], (K, D, NB3))


def _finalize(feat, x, stats, alpha, beta, interpret=False):
    return pl.pallas_call(
        _final_body,
        grid=(B, N // NB3),
        in_specs=[
            pl.BlockSpec((1, K, D, NB3), lambda b, l: (b, 0, 0, l)),
            pl.BlockSpec((1, D, NB3), lambda b, l: (b, 0, l)),
            pl.BlockSpec((NTILES, 32), lambda b, l: (0, 0)),
            pl.BlockSpec((D, 1), lambda b, l: (0, 0)),
            pl.BlockSpec((D, 1), lambda b, l: (0, 0)),
        ],
        out_specs=pl.BlockSpec((1, K, 2 * D, NB3), lambda b, l: (b, 0, 0, l)),
        out_shape=jax.ShapeDtypeStruct((B, K, 2 * D, N), jnp.float32),
        interpret=interpret,
    )(feat, x, stats, alpha, beta)


def kernel(x, affine_alpha, affine_beta):
    idx = _topk(x)
    feat, stats = _gather(x, idx)
    a_col = affine_alpha.reshape(D, 1)
    b_col = affine_beta.reshape(D, 1)
    out = _finalize(feat, x, stats, a_col, b_col)
    return jnp.transpose(out, (0, 2, 3, 1))

# --- scband reference (transcript-rebuilt; emitter-appended) ---
"""Pipeline reference for scband-get-graph-feature-15023795602176 (READ-ONLY COPY).

The authoritative reference and input builder live on the scoring server;
editing this copy changes nothing except your own understanding.
"""

import jax, jax.numpy as jnp
import numpy as np

K_NEIGHBORS = 20


def knn(x, k):
    # x: [B, d, N]
    inner = -2.0 * jnp.matmul(jnp.transpose(x, (0, 2, 1)), x)
    xx = jnp.sum(x ** 2, axis=1, keepdims=True)
    pairwise_distance = -xx - inner - jnp.transpose(xx, (0, 2, 1))
    _, idx = jax.lax.top_k(pairwise_distance, k)
    return idx


def setup_inputs(seed: int = 0) -> dict:
    key = jax.random.key(seed)
    x = jax.random.normal(jax.random.fold_in(key, 0), (8, 64, 2048), dtype=jnp.float32)
    affine_alpha = jnp.ones((1, 1, 1, 64), dtype=jnp.float32)
    affine_beta = jnp.zeros((1, 1, 1, 64), dtype=jnp.float32)
    return {"x": x, "affine_alpha": affine_alpha, "affine_beta": affine_beta}


def reference(x, affine_alpha, affine_beta):
    k = K_NEIGHBORS
    batch_size, num_dims, num_points = x.shape
    idx = knn(x, k)  # [B, N, k]
    idx_base = (jnp.arange(batch_size) * num_points).reshape(-1, 1, 1)
    idx = (idx + idx_base).reshape(-1)
    x_t = jnp.transpose(x, (0, 2, 1))  # [B, N, d]
    feature = x_t.reshape(batch_size * num_points, num_dims)[idx, :]
    feature = feature.reshape(batch_size, num_points, k, num_dims)
    mean = x_t[:, :, None, :]
    std = jnp.std(feature - mean, ddof=1)  # torch.std is unbiased by default
    feature = (feature - mean) / (std + 1e-05)
    feature = affine_alpha * feature + affine_beta
    x_rep = jnp.broadcast_to(x_t[:, :, None, :], (batch_size, num_points, k, num_dims))
    out = jnp.transpose(jnp.concatenate((feature, x_rep), axis=3), (0, 3, 1, 2))
    return out  # [B, 2*d, N, k]

if __name__ == "__main__":
    import jax
    _d = setup_inputs()
    print(jax.jit(kernel)(*tuple(_d.values())))

</pallas_src>

<mosaic_0001>
#map = affine_map<(d0, d1) -> (0, 0, 0)>
#map1 = affine_map<(d0, d1) -> (0, 0, 0, 0)>
#map2 = affine_map<(d0, d1) -> (0, 0)>
module attributes {stable_mosaic.version = 14 : i64} {
  func.func @_gather_body(%arg0: i32, %arg1: i32, %arg2: memref<8x64x2048xf32, #tpu.memory_space<hbm>>, %arg3: memref<8x2048x128xi32, #tpu.memory_space<hbm>>, %arg4: memref<8x20x64x2048xf32, #tpu.memory_space<hbm>>, %arg5: memref<32x32xf32, #tpu.memory_space<hbm>>, %arg6: memref<512x128xi32, #tpu.memory_space<vmem>>, %arg7: memref<10240xi32, #tpu.memory_space<vmem>>, %arg8: memref<2048xf32, #tpu.memory_space<vmem>>, %arg9: memref<2048xf32, #tpu.memory_space<vmem>>, %arg10: memref<20x512xf32, #tpu.memory_space<vmem>>, %arg11: memref<20x512xf32, #tpu.memory_space<vmem>>, %arg12: memref<32xf32, #tpu.memory_space<vmem>>, %arg13: memref<!tpu.dma_semaphore, #tpu.memory_space<semaphore_mem>>, %arg14: memref<!tpu.dma_semaphore, #tpu.memory_space<semaphore_mem>>, %arg15: memref<!tpu.dma_semaphore, #tpu.memory_space<semaphore_mem>>, %arg16: memref<!tpu.dma_semaphore, #tpu.memory_space<semaphore_mem>>) attributes {dimension_semantics = [#tpu.dimension_semantics<core_parallel>, #tpu.dimension_semantics<subcore_parallel>], iteration_bounds = array<i64: 2, 16>, scalar_prefetch = 0 : i64, scratch_operands = 11 : i64, tpu.core_type = #tpu.core_type<sc_vector_subcore>, window_params = [{transform_indices = #map}, {transform_indices = #map}, {transform_indices = #map1}, {transform_indices = #map2}]} {
    %mul3A = arith.constant 2 : i32
    %mul3A_0 = arith.muli %arg1, %mul3A : i32
    %add3A = arith.addi %mul3A_0, %arg0 : i32
    %shift_right_logical3A = arith.constant 2 : i32
    %shift_right_logical3A_1 = arith.shrui %add3A, %shift_right_logical3A : i32
    %and3A = arith.constant 3 : i32
    %and3A_2 = arith.andi %add3A, %and3A : i32
    %mul3A_3 = arith.constant 512 : i32
    %mul3A_4 = arith.muli %and3A_2, %mul3A_3 : i32
    %dma_start3A = arith.constant 0 : i32
    %dma_start3A_5 = arith.constant 0 : i32
    %dma_start3A_6 = tpu.memref_slice %arg2[%shift_right_logical3A_1, %dma_start3A, %dma_start3A_5] : memref<8x64x2048xf32, #tpu.memory_space<hbm>> -> memref<1x1x2048xf32, #tpu.memory_space<hbm>>
    %dma_start3A_7 = tpu.memref_squeeze %dma_start3A_6 : memref<1x1x2048xf32, #tpu.memory_space<hbm>> -> memref<2048xf32, #tpu.memory_space<hbm>>
    %dma_start3A_8 = arith.constant 0 : i32
    %dma_start3A_9 = tpu.memref_slice %arg2[%shift_right_logical3A_1, %dma_start3A, %dma_start3A_8] : memref<8x64x2048xf32, #tpu.memory_space<hbm>> -> memref<1x1x2048xf32, #tpu.memory_space<hbm>>
    %dma_start3A_10 = tpu.memref_squeeze %dma_start3A_9 : memref<1x1x2048xf32, #tpu.memory_space<hbm>> -> memref<2048xf32, #tpu.memory_space<hbm>>
    tpu.enqueue_dma source(%dma_start3A_10 : memref<2048xf32, #tpu.memory_space<hbm>>) target(%arg8 : memref<2048xf32, #tpu.memory_space<vmem>>) target_semaphore(%arg13 : memref<!tpu.dma_semaphore, #tpu.memory_space<semaphore_mem>>)
    %dma_start3A_11 = arith.constant 1 : i32
    %dma_start3A_12 = arith.constant 0 : i32
    %dma_start3A_13 = tpu.memref_slice %arg2[%shift_right_logical3A_1, %dma_start3A_11, %dma_start3A_12] : memref<8x64x2048xf32, #tpu.memory_space<hbm>> -> memref<1x1x2048xf32, #tpu.memory_space<hbm>>
    %dma_start3A_14 = tpu.memref_squeeze %dma_start3A_13 : memref<1x1x2048xf32, #tpu.memory_space<hbm>> -> memref<2048xf32, #tpu.memory_space<hbm>>
    %dma_start3A_15 = arith.constant 0 : i32
    %dma_start3A_16 = tpu.memref_slice %arg2[%shift_right_logical3A_1, %dma_start3A_11, %dma_start3A_15] : memref<8x64x2048xf32, #tpu.memory_space<hbm>> -> memref<1x1x2048xf32, #tpu.memory_space<hbm>>
    %dma_start3A_17 = tpu.memref_squeeze %dma_start3A_16 : memref<1x1x2048xf32, #tpu.memory_space<hbm>> -> memref<2048xf32, #tpu.memory_space<hbm>>
    tpu.enqueue_dma source(%dma_start3A_17 : memref<2048xf32, #tpu.memory_space<hbm>>) target(%arg9 : memref<2048xf32, #tpu.memory_space<vmem>>) target_semaphore(%arg14 : memref<!tpu.dma_semaphore, #tpu.memory_space<semaphore_mem>>)
    %iota3A = tpu.iota {dimensions = array<i32: 0>} : vector<16xi32>
    "tpu.region"() ({
      %run_scoped3A = tpu.sem_alloc : memref<!tpu.dma_semaphore, #tpu.memory_space<semaphore_mem>>
      %dma_start3A_65 = arith.constant 0 : i32
      %dma_start3A_66 = tpu.memref_slice %arg3[%shift_right_logical3A_1, %mul3A_4, %dma_start3A_65] : memref<8x2048x128xi32, #tpu.memory_space<hbm>> -> memref<1x512x128xi32, #tpu.memory_space<hbm>>
      %dma_start3A_67 = tpu.memref_squeeze %dma_start3A_66 : memref<1x512x128xi32, #tpu.memory_space<hbm>> -> memref<512x128xi32, #tpu.memory_space<hbm>>
      %dma_start3A_68 = arith.constant 0 : i32
      %dma_start3A_69 = tpu.memref_slice %arg3[%shift_right_logical3A_1, %mul3A_4, %dma_start3A_68] : memref<8x2048x128xi32, #tpu.memory_space<hbm>> -> memref<1x512x128xi32, #tpu.memory_space<hbm>>
      %dma_start3A_70 = tpu.memref_squeeze %dma_start3A_69 : memref<1x512x128xi32, #tpu.memory_space<hbm>> -> memref<512x128xi32, #tpu.memory_space<hbm>>
      tpu.enqueue_dma source(%dma_start3A_70 : memref<512x128xi32, #tpu.memory_space<hbm>>) target(%arg6 : memref<512x128xi32, #tpu.memory_space<vmem>>) target_semaphore(%run_scoped3A : memref<!tpu.dma_semaphore, #tpu.memory_space<semaphore_mem>>)
      %dma_wait3A_71 = arith.constant 0 : i32
      %dma_wait3A_72 = tpu.memref_slice %arg3[%shift_right_logical3A_1, %mul3A_4, %dma_wait3A_71] : memref<8x2048x128xi32, #tpu.memory_space<hbm>> -> memref<1x512x128xi32, #tpu.memory_space<hbm>>
      %dma_wait3A_73 = tpu.memref_squeeze %dma_wait3A_72 : memref<1x512x128xi32, #tpu.memory_space<hbm>> -> memref<512x128xi32, #tpu.memory_space<hbm>>
      %dma_wait3A_74 = arith.constant 0 : i32
      %dma_wait3A_75 = tpu.memref_slice %arg3[%shift_right_logical3A_1, %mul3A_4, %dma_wait3A_74] : memref<8x2048x128xi32, #tpu.memory_space<hbm>> -> memref<1x512x128xi32, #tpu.memory_space<hbm>>
      %dma_wait3A_76 = tpu.memref_squeeze %dma_wait3A_75 : memref<1x512x128xi32, #tpu.memory_space<hbm>> -> memref<512x128xi32, #tpu.memory_space<hbm>>
      tpu.wait_dma2 semaphore(%run_scoped3A : memref<!tpu.dma_semaphore, #tpu.memory_space<semaphore_mem>>) src(%dma_wait3A_76 : memref<512x128xi32, #tpu.memory_space<hbm>>) dst(%arg6 : memref<512x128xi32, #tpu.memory_space<vmem>>)
      tpu.yield
    }) : () -> ()
    %scan3A = arith.constant 0 : i32
    %scan3A_18 = arith.constant 0 : i32
    %scan3A_19 = arith.constant 640 : i32
    %scan3A_20 = arith.addi %scan3A_18, %scan3A_19 : i32
    %scan3A_21 = arith.constant 1 : i32
    %scan3A_22 = scf.for %scan3A_65 = %scan3A_18 to %scan3A_20 step %scan3A_21 iter_args(%scan3A_66 = %scan3A) -> (i32)  : i32 {
      %shift_right_logical3A_67 = arith.constant 5 : i32
      %shift_right_logical3A_68 = arith.shrui %scan3A_65, %shift_right_logical3A_67 : i32
      %and3A_69 = arith.constant 31 : i32
      %and3A_70 = arith.andi %scan3A_65, %and3A_69 : i32
      %mul3A_71 = arith.constant 16 : i32
      %mul3A_72 = arith.muli %and3A_70, %mul3A_71 : i32
      %add3A_73 = vector.broadcast %mul3A_72 : i32 to vector<16xi32>
      %add3A_74 = arith.addi %add3A_73, %iota3A : vector<16xi32>
      %broadcast_in_dim3A_75 = arith.constant 0 : i32
      %broadcast_in_dim3A_76 = vector.broadcast %broadcast_in_dim3A_75 : i32 to vector<16xi32>
      %add3A_77 = vector.broadcast %shift_right_logical3A_68 : i32 to vector<16xi32>
      %add3A_78 = arith.addi %broadcast_in_dim3A_76, %add3A_77 : vector<16xi32>
      %gather3A = tpu.vector_load_idx %arg6[%add3A_74, %add3A_78] : memref<512x128xi32, #tpu.memory_space<vmem>>[vector<16xi32>, vector<16xi32>], vector<16xi32>,
      %mul3A_79 = arith.constant 16 : i32
      %mul3A_80 = arith.muli %scan3A_65, %mul3A_79 : i32
      %swap3A_81 = arith.index_cast %mul3A_80 : i32 to index
      %swap3A_82 = tpu.vector_load %arg7[%swap3A_81] {strides = array<i32>} : memref<10240xi32, #tpu.memory_space<vmem>>, vector<16xi32>,
      tpu.vector_store %arg7[%swap3A_81], %gather3A {strides = array<i32>} : memref<10240xi32, #tpu.memory_space<vmem>>, vector<16xi32>,
      %scan3A_83 = arith.constant 0 : i32
      scf.yield %scan3A_83 : i32
    }
    %scan3A_23 = arith.constant 640 : i32
    %broadcast_in_dim3A = arith.constant 0.000000e+00 : f32
    %broadcast_in_dim3A_24 = vector.broadcast %broadcast_in_dim3A : f32 to vector<16xf32>
    %scan3A_25 = arith.constant 0 : i32
    %scan3A_26 = arith.constant 32 : i32
    %scan3A_27 = arith.addi %scan3A_25, %scan3A_26 : i32
    %scan3A_28 = arith.constant 1 : i32
    %scan3A_29:2 = scf.for %scan3A_65 = %scan3A_25 to %scan3A_27 step %scan3A_28 iter_args(%scan3A_66 = %broadcast_in_dim3A_24, %scan3A_67 = %broadcast_in_dim3A_24) -> (vector<16xf32>, vector<16xf32>)  : i32 {
      %mul3A_68 = arith.constant 2 : i32
      %mul3A_69 = arith.muli %mul3A_68, %scan3A_65 : i32
      %mul3A_70 = arith.constant 2 : i32
      %mul3A_71 = arith.muli %mul3A_70, %scan3A_65 : i32
      %add3A_72 = arith.constant 1 : i32
      %add3A_73 = arith.addi %mul3A_71, %add3A_72 : i32
      %add3A_74 = arith.constant 2 : i32
      %add3A_75 = arith.addi %mul3A_69, %add3A_74 : i32
      %min3A = arith.constant 63 : i32
      %min3A_76 = arith.minsi %add3A_75, %min3A : i32
      %dma_wait3A_77 = arith.constant 0 : i32
      %dma_wait3A_78 = arith.constant 0 : i32
      %dma_wait3A_79 = tpu.memref_slice %arg2[%shift_right_logical3A_1, %dma_wait3A_77, %dma_wait3A_78] : memref<8x64x2048xf32, #tpu.memory_space<hbm>> -> memref<1x1x2048xf32, #tpu.memory_space<hbm>>
      %dma_wait3A_80 = tpu.memref_squeeze %dma_wait3A_79 : memref<1x1x2048xf32, #tpu.memory_space<hbm>> -> memref<2048xf32, #tpu.memory_space<hbm>>
      %dma_wait3A_81 = arith.constant 0 : i32
      %dma_wait3A_82 = tpu.memref_slice %arg2[%shift_right_logical3A_1, %dma_wait3A_77, %dma_wait3A_81] : memref<8x64x2048xf32, #tpu.memory_space<hbm>> -> memref<1x1x2048xf32, #tpu.memory_space<hbm>>
      %dma_wait3A_83 = tpu.memref_squeeze %dma_wait3A_82 : memref<1x1x2048xf32, #tpu.memory_space<hbm>> -> memref<2048xf32, #tpu.memory_space<hbm>>
      tpu.wait_dma2 semaphore(%arg13 : memref<!tpu.dma_semaphore, #tpu.memory_space<semaphore_mem>>) src(%dma_wait3A_83 : memref<2048xf32, #tpu.memory_space<hbm>>) dst(%arg8 : memref<2048xf32, #tpu.memory_space<vmem>>)
      %gt3A = arith.constant 0 : i32
      %gt3A_84 = arith.cmpi sgt, %scan3A_65, %gt3A : i32
      %convert_element_type3A = arith.extui %gt3A_84 : i1 to i32
      %cond3A = arith.constant 0 : i32
      %cond3A_85 = arith.cmpi ne, %convert_element_type3A, %cond3A : i32
      scf.if %cond3A_85 {
        %dma_wait3A_138 = arith.constant 0 : i32
        %dma_wait3A_139 = arith.constant 0 : i32
        %dma_wait3A_140 = arith.constant 0 : i32
        %dma_wait3A_141 = tpu.memref_slice %arg4[%shift_right_logical3A_1, %dma_wait3A_139, %dma_wait3A_138, %dma_wait3A_140] : memref<8x20x64x2048xf32, #tpu.memory_space<hbm>> -> memref<1x20x1x512xf32, #tpu.memory_space<hbm>>
        %dma_wait3A_142 = tpu.memref_squeeze %dma_wait3A_141 : memref<1x20x1x512xf32, #tpu.memory_space<hbm>> -> memref<20x512xf32, #tpu.memory_space<hbm>>
        %dma_wait3A_143 = arith.constant 0 : i32
        %dma_wait3A_144 = arith.constant 0 : i32
        %dma_wait3A_145 = tpu.memref_slice %arg4[%shift_right_logical3A_1, %dma_wait3A_143, %dma_wait3A_138, %dma_wait3A_144] : memref<8x20x64x2048xf32, #tpu.memory_space<hbm>> -> memref<1x20x1x512xf32, #tpu.memory_space<hbm>>
        %dma_wait3A_146 = tpu.memref_squeeze %dma_wait3A_145 : memref<1x20x1x512xf32, #tpu.memory_space<hbm>> -> memref<20x512xf32, #tpu.memory_space<hbm>>
        tpu.wait_dma2 semaphore(%arg15 : memref<!tpu.dma_semaphore, #tpu.memory_space<semaphore_mem>>) src(%arg10 : memref<20x512xf32, #tpu.memory_space<vmem>>) dst(%dma_wait3A_146 : memref<20x512xf32, #tpu.memory_space<hbm>>)
      } else {
      }
      %scan3A_86 = arith.constant 0 : i32
      %scan3A_87 = arith.constant 320 : i32
      %scan3A_88 = arith.addi %scan3A_86, %scan3A_87 : i32
      %scan3A_89 = arith.constant 1 : i32
      %scan3A_90:2 = scf.for %scan3A_138 = %scan3A_86 to %scan3A_88 step %scan3A_89 iter_args(%scan3A_139 = %scan3A_66, %scan3A_140 = %scan3A_67) -> (vector<16xf32>, vector<16xf32>)  : i32 {
        %mul3A_141 = arith.constant 32 : i32
        %mul3A_142 = arith.muli %scan3A_138, %mul3A_141 : i32
        %shift_right_logical3A_143 = arith.constant 9 : i32
        %shift_right_logical3A_144 = arith.shrui %mul3A_142, %shift_right_logical3A_143 : i32
        %and3A_145 = arith.constant 511 : i32
        %and3A_146 = arith.andi %mul3A_142, %and3A_145 : i32
        %get3A = arith.index_cast %mul3A_142 : i32 to index
        %get3A_147 = tpu.vector_load %arg7[%get3A] {strides = array<i32>} : memref<10240xi32, #tpu.memory_space<vmem>>, vector<16xi32>,
        %add3A_148 = arith.constant 16 : i32
        %add3A_149 = arith.addi %mul3A_142, %add3A_148 : i32
        %get3A_150 = arith.index_cast %add3A_149 : i32 to index
        %get3A_151 = tpu.vector_load %arg7[%get3A_150] {strides = array<i32>} : memref<10240xi32, #tpu.memory_space<vmem>>, vector<16xi32>,
        %gather3A = tpu.vector_load_idx %arg8[%get3A_147] : memref<2048xf32, #tpu.memory_space<vmem>>[vector<16xi32>], vector<16xf32>,
        %gather3A_152 = tpu.vector_load_idx %arg8[%get3A_151] : memref<2048xf32, #tpu.memory_space<vmem>>[vector<16xi32>], vector<16xf32>,
        %add3A_153 = arith.addi %mul3A_4, %and3A_146 : i32
        %get3A_154 = arith.index_cast %add3A_153 : i32 to index
        %get3A_155 = tpu.vector_load %arg8[%get3A_154] {strides = array<i32>} : memref<2048xf32, #tpu.memory_space<vmem>>, vector<16xf32>,
        %add3A_156 = arith.addi %mul3A_4, %and3A_146 : i32
        %add3A_157 = arith.constant 16 : i32
        %add3A_158 = arith.addi %add3A_156, %add3A_157 : i32
        %get3A_159 = arith.index_cast %add3A_158 : i32 to index
        %get3A_160 = tpu.vector_load %arg8[%get3A_159] {strides = array<i32>} : memref<2048xf32, #tpu.memory_space<vmem>>, vector<16xf32>,
        %sub3A = arith.subf %gather3A, %get3A_155 : vector<16xf32>
        %sub3A_161 = arith.subf %gather3A_152, %get3A_160 : vector<16xf32>
        %swap3A_162 = arith.index_cast %shift_right_logical3A_144 : i32 to index
        %swap3A_163 = arith.index_cast %and3A_146 : i32 to index
        %swap3A_164 = tpu.vector_load %arg10[%swap3A_162, %swap3A_163] {strides = array<i32>} : memref<20x512xf32, #tpu.memory_space<vmem>>, vector<16xf32>,
        tpu.vector_store %arg10[%swap3A_162, %swap3A_163], %sub3A {strides = array<i32>} : memref<20x512xf32, #tpu.memory_space<vmem>>, vector<16xf32>,
        %add3A_165 = arith.constant 16 : i32
        %add3A_166 = arith.addi %and3A_146, %add3A_165 : i32
        %swap3A_167 = arith.index_cast %shift_right_logical3A_144 : i32 to index
        %swap3A_168 = arith.index_cast %add3A_166 : i32 to index
        %swap3A_169 = tpu.vector_load %arg10[%swap3A_167, %swap3A_168] {strides = array<i32>} : memref<20x512xf32, #tpu.memory_space<vmem>>, vector<16xf32>,
        tpu.vector_store %arg10[%swap3A_167, %swap3A_168], %sub3A_161 {strides = array<i32>} : memref<20x512xf32, #tpu.memory_space<vmem>>, vector<16xf32>,
        %add3A_170 = arith.addf %scan3A_139, %sub3A : vector<16xf32>
        %add3A_171 = arith.addf %add3A_170, %sub3A_161 : vector<16xf32>
        %mul3A_172 = arith.mulf %sub3A, %sub3A : vector<16xf32>
        %add3A_173 = arith.addf %scan3A_140, %mul3A_172 : vector<16xf32>
        %mul3A_174 = arith.mulf %sub3A_161, %sub3A_161 : vector<16xf32>
        %add3A_175 = arith.addf %add3A_173, %mul3A_174 : vector<16xf32>
        scf.yield %add3A_171, %add3A_175 : vector<16xf32>, vector<16xf32>
      }
      %scan3A_91 = arith.constant 320 : i32
      %dma_start3A_92 = arith.constant 0 : i32
      %dma_start3A_93 = tpu.memref_slice %arg4[%shift_right_logical3A_1, %dma_start3A_92, %mul3A_69, %mul3A_4] : memref<8x20x64x2048xf32, #tpu.memory_space<hbm>> -> memref<1x20x1x512xf32, #tpu.memory_space<hbm>>
      %dma_start3A_94 = tpu.memref_squeeze %dma_start3A_93 : memref<1x20x1x512xf32, #tpu.memory_space<hbm>> -> memref<20x512xf32, #tpu.memory_space<hbm>>
      %dma_start3A_95 = arith.constant 0 : i32
      %dma_start3A_96 = tpu.memref_slice %arg4[%shift_right_logical3A_1, %dma_start3A_95, %mul3A_69, %mul3A_4] : memref<8x20x64x2048xf32, #tpu.memory_space<hbm>> -> memref<1x20x1x512xf32, #tpu.memory_space<hbm>>
      %dma_start3A_97 = tpu.memref_squeeze %dma_start3A_96 : memref<1x20x1x512xf32, #tpu.memory_space<hbm>> -> memref<20x512xf32, #tpu.memory_space<hbm>>
      tpu.enqueue_dma source(%arg10 : memref<20x512xf32, #tpu.memory_space<vmem>>) target(%dma_start3A_97 : memref<20x512xf32, #tpu.memory_space<hbm>>) target_semaphore(%arg15 : memref<!tpu.dma_semaphore, #tpu.memory_space<semaphore_mem>>)
      %dma_start3A_98 = arith.constant 0 : i32
      %dma_start3A_99 = tpu.memref_slice %arg2[%shift_right_logical3A_1, %min3A_76, %dma_start3A_98] : memref<8x64x2048xf32, #tpu.memory_space<hbm>> -> memref<1x1x2048xf32, #tpu.memory_space<hbm>>
      %dma_start3A_100 = tpu.memref_squeeze %dma_start3A_99 : memref<1x1x2048xf32, #tpu.memory_space<hbm>> -> memref<2048xf32, #tpu.memory_space<hbm>>
      %dma_start3A_101 = arith.constant 0 : i32
      %dma_start3A_102 = tpu.memref_slice %arg2[%shift_right_logical3A_1, %min3A_76, %dma_start3A_101] : memref<8x64x2048xf32, #tpu.memory_space<hbm>> -> memref<1x1x2048xf32, #tpu.memory_space<hbm>>
      %dma_start3A_103 = tpu.memref_squeeze %dma_start3A_102 : memref<1x1x2048xf32, #tpu.memory_space<hbm>> -> memref<2048xf32, #tpu.memory_space<hbm>>
      tpu.enqueue_dma source(%dma_start3A_103 : memref<2048xf32, #tpu.memory_space<hbm>>) target(%arg8 : memref<2048xf32, #tpu.memory_space<vmem>>) target_semaphore(%arg13 : memref<!tpu.dma_semaphore, #tpu.memory_space<semaphore_mem>>)
      %add3A_104 = arith.constant 2 : i32
      %add3A_105 = arith.addi %add3A_73, %add3A_104 : i32
      %min3A_106 = arith.constant 63 : i32
      %min3A_107 = arith.minsi %add3A_105, %min3A_106 : i32
      %dma_wait3A_108 = arith.constant 0 : i32
      %dma_wait3A_109 = arith.constant 0 : i32
      %dma_wait3A_110 = tpu.memref_slice %arg2[%shift_right_logical3A_1, %dma_wait3A_108, %dma_wait3A_109] : memref<8x64x2048xf32, #tpu.memory_space<hbm>> -> memref<1x1x2048xf32, #tpu.memory_space<hbm>>
      %dma_wait3A_111 = tpu.memref_squeeze %dma_wait3A_110 : memref<1x1x2048xf32, #tpu.memory_space<hbm>> -> memref<2048xf32, #tpu.memory_space<hbm>>
      %dma_wait3A_112 = arith.constant 0 : i32
      %dma_wait3A_113 = tpu.memref_slice %arg2[%shift_right_logical3A_1, %dma_wait3A_108, %dma_wait3A_112] : memref<8x64x2048xf32, #tpu.memory_space<hbm>> -> memref<1x1x2048xf32, #tpu.memory_space<hbm>>
      %dma_wait3A_114 = tpu.memref_squeeze %dma_wait3A_113 : memref<1x1x2048xf32, #tpu.memory_space<hbm>> -> memref<2048xf32, #tpu.memory_space<hbm>>
      tpu.wait_dma2 semaphore(%arg14 : memref<!tpu.dma_semaphore, #tpu.memory_space<semaphore_mem>>) src(%dma_wait3A_114 : memref<2048xf32, #tpu.memory_space<hbm>>) dst(%arg9 : memref<2048xf32, #tpu.memory_space<vmem>>)
      %gt3A_115 = arith.constant 0 : i32
      %gt3A_116 = arith.cmpi sgt, %scan3A_65, %gt3A_115 : i32
      %convert_element_type3A_117 = arith.extui %gt3A_116 : i1 to i32
      %cond3A_118 = arith.constant 0 : i32
      %cond3A_119 = arith.cmpi ne, %convert_element_type3A_117, %cond3A_118 : i32
      scf.if %cond3A_119 {
        %dma_wait3A_138 = arith.constant 0 : i32
        %dma_wait3A_139 = arith.constant 0 : i32
        %dma_wait3A_140 = arith.constant 0 : i32
        %dma_wait3A_141 = tpu.memref_slice %arg4[%shift_right_logical3A_1, %dma_wait3A_139, %dma_wait3A_138, %dma_wait3A_140] : memref<8x20x64x2048xf32, #tpu.memory_space<hbm>> -> memref<1x20x1x512xf32, #tpu.memory_space<hbm>>
        %dma_wait3A_142 = tpu.memref_squeeze %dma_wait3A_141 : memref<1x20x1x512xf32, #tpu.memory_space<hbm>> -> memref<20x512xf32, #tpu.memory_space<hbm>>
        %dma_wait3A_143 = arith.constant 0 : i32
        %dma_wait3A_144 = arith.constant 0 : i32
        %dma_wait3A_145 = tpu.memref_slice %arg4[%shift_right_logical3A_1, %dma_wait3A_143, %dma_wait3A_138, %dma_wait3A_144] : memref<8x20x64x2048xf32, #tpu.memory_space<hbm>> -> memref<1x20x1x512xf32, #tpu.memory_space<hbm>>
        %dma_wait3A_146 = tpu.memref_squeeze %dma_wait3A_145 : memref<1x20x1x512xf32, #tpu.memory_space<hbm>> -> memref<20x512xf32, #tpu.memory_space<hbm>>
        tpu.wait_dma2 semaphore(%arg16 : memref<!tpu.dma_semaphore, #tpu.memory_space<semaphore_mem>>) src(%arg11 : memref<20x512xf32, #tpu.memory_space<vmem>>) dst(%dma_wait3A_146 : memref<20x512xf32, #tpu.memory_space<hbm>>)
      } else {
      }
      %scan3A_120 = arith.constant 0 : i32
      %scan3A_121 = arith.constant 320 : i32
      %scan3A_122 = arith.addi %scan3A_120, %scan3A_121 : i32
      %scan3A_123 = arith.constant 1 : i32
      %scan3A_124:2 = scf.for %scan3A_138 = %scan3A_120 to %scan3A_122 step %scan3A_123 iter_args(%scan3A_139 = %scan3A_90#0, %scan3A_140 = %scan3A_90#1) -> (vector<16xf32>, vector<16xf32>)  : i32 {
        %mul3A_141 = arith.constant 32 : i32
        %mul3A_142 = arith.muli %scan3A_138, %mul3A_141 : i32
        %shift_right_logical3A_143 = arith.constant 9 : i32
        %shift_right_logical3A_144 = arith.shrui %mul3A_142, %shift_right_logical3A_143 : i32
        %and3A_145 = arith.constant 511 : i32
        %and3A_146 = arith.andi %mul3A_142, %and3A_145 : i32
        %get3A = arith.index_cast %mul3A_142 : i32 to index
        %get3A_147 = tpu.vector_load %arg7[%get3A] {strides = array<i32>} : memref<10240xi32, #tpu.memory_space<vmem>>, vector<16xi32>,
        %add3A_148 = arith.constant 16 : i32
        %add3A_149 = arith.addi %mul3A_142, %add3A_148 : i32
        %get3A_150 = arith.index_cast %add3A_149 : i32 to index
        %get3A_151 = tpu.vector_load %arg7[%get3A_150] {strides = array<i32>} : memref<10240xi32, #tpu.memory_space<vmem>>, vector<16xi32>,
        %gather3A = tpu.vector_load_idx %arg9[%get3A_147] : memref<2048xf32, #tpu.memory_space<vmem>>[vector<16xi32>], vector<16xf32>,
        %gather3A_152 = tpu.vector_load_idx %arg9[%get3A_151] : memref<2048xf32, #tpu.memory_space<vmem>>[vector<16xi32>], vector<16xf32>,
        %add3A_153 = arith.addi %mul3A_4, %and3A_146 : i32
        %get3A_154 = arith.index_cast %add3A_153 : i32 to index
        %get3A_155 = tpu.vector_load %arg9[%get3A_154] {strides = array<i32>} : memref<2048xf32, #tpu.memory_space<vmem>>, vector<16xf32>,
        %add3A_156 = arith.addi %mul3A_4, %and3A_146 : i32
        %add3A_157 = arith.constant 16 : i32
        %add3A_158 = arith.addi %add3A_156, %add3A_157 : i32
        %get3A_159 = arith.index_cast %add3A_158 : i32 to index
        %get3A_160 = tpu.vector_load %arg9[%get3A_159] {strides = array<i32>} : memref<2048xf32, #tpu.memory_space<vmem>>, vector<16xf32>,
        %sub3A = arith.subf %gather3A, %get3A_155 : vector<16xf32>
        %sub3A_161 = arith.subf %gather3A_152, %get3A_160 : vector<16xf32>
        %swap3A_162 = arith.index_cast %shift_right_logical3A_144 : i32 to index
        %swap3A_163 = arith.index_cast %and3A_146 : i32 to index
        %swap3A_164 = tpu.vector_load %arg11[%swap3A_162, %swap3A_163] {strides = array<i32>} : memref<20x512xf32, #tpu.memory_space<vmem>>, vector<16xf32>,
        tpu.vector_store %arg11[%swap3A_162, %swap3A_163], %sub3A {strides = array<i32>} : memref<20x512xf32, #tpu.memory_space<vmem>>, vector<16xf32>,
        %add3A_165 = arith.constant 16 : i32
        %add3A_166 = arith.addi %and3A_146, %add3A_165 : i32
        %swap3A_167 = arith.index_cast %shift_right_logical3A_144 : i32 to index
        %swap3A_168 = arith.index_cast %add3A_166 : i32 to index
        %swap3A_169 = tpu.vector_load %arg11[%swap3A_167, %swap3A_168] {strides = array<i32>} : memref<20x512xf32, #tpu.memory_space<vmem>>, vector<16xf32>,
        tpu.vector_store %arg11[%swap3A_167, %swap3A_168], %sub3A_161 {strides = array<i32>} : memref<20x512xf32, #tpu.memory_space<vmem>>, vector<16xf32>,
        %add3A_170 = arith.addf %scan3A_139, %sub3A : vector<16xf32>
        %add3A_171 = arith.addf %add3A_170, %sub3A_161 : vector<16xf32>
        %mul3A_172 = arith.mulf %sub3A, %sub3A : vector<16xf32>
        %add3A_173 = arith.addf %scan3A_140, %mul3A_172 : vector<16xf32>
        %mul3A_174 = arith.mulf %sub3A_161, %sub3A_161 : vector<16xf32>
        %add3A_175 = arith.addf %add3A_173, %mul3A_174 : vector<16xf32>
        scf.yield %add3A_171, %add3A_175 : vector<16xf32>, vector<16xf32>
      }
      %scan3A_125 = arith.constant 320 : i32
      %dma_start3A_126 = arith.constant 0 : i32
      %dma_start3A_127 = tpu.memref_slice %arg4[%shift_right_logical3A_1, %dma_start3A_126, %add3A_73, %mul3A_4] : memref<8x20x64x2048xf32, #tpu.memory_space<hbm>> -> memref<1x20x1x512xf32, #tpu.memory_space<hbm>>
      %dma_start3A_128 = tpu.memref_squeeze %dma_start3A_127 : memref<1x20x1x512xf32, #tpu.memory_space<hbm>> -> memref<20x512xf32, #tpu.memory_space<hbm>>
      %dma_start3A_129 = arith.constant 0 : i32
      %dma_start3A_130 = tpu.memref_slice %arg4[%shift_right_logical3A_1, %dma_start3A_129, %add3A_73, %mul3A_4] : memref<8x20x64x2048xf32, #tpu.memory_space<hbm>> -> memref<1x20x1x512xf32, #tpu.memory_space<hbm>>
      %dma_start3A_131 = tpu.memref_squeeze %dma_start3A_130 : memref<1x20x1x512xf32, #tpu.memory_space<hbm>> -> memref<20x512xf32, #tpu.memory_space<hbm>>
      tpu.enqueue_dma source(%arg11 : memref<20x512xf32, #tpu.memory_space<vmem>>) target(%dma_start3A_131 : memref<20x512xf32, #tpu.memory_space<hbm>>) target_semaphore(%arg16 : memref<!tpu.dma_semaphore, #tpu.memory_space<semaphore_mem>>)
      %dma_start3A_132 = arith.constant 0 : i32
      %dma_start3A_133 = tpu.memref_slice %arg2[%shift_right_logical3A_1, %min3A_107, %dma_start3A_132] : memref<8x64x2048xf32, #tpu.memory_space<hbm>> -> memref<1x1x2048xf32, #tpu.memory_space<hbm>>
      %dma_start3A_134 = tpu.memref_squeeze %dma_start3A_133 : memref<1x1x2048xf32, #tpu.memory_space<hbm>> -> memref<2048xf32, #tpu.memory_space<hbm>>
      %dma_start3A_135 = arith.constant 0 : i32
      %dma_start3A_136 = tpu.memref_slice %arg2[%shift_right_logical3A_1, %min3A_107, %dma_start3A_135] : memref<8x64x2048xf32, #tpu.memory_space<hbm>> -> memref<1x1x2048xf32, #tpu.memory_space<hbm>>
      %dma_start3A_137 = tpu.memref_squeeze %dma_start3A_136 : memref<1x1x2048xf32, #tpu.memory_space<hbm>> -> memref<2048xf32, #tpu.memory_space<hbm>>
      tpu.enqueue_dma source(%dma_start3A_137 : memref<2048xf32, #tpu.memory_space<hbm>>) target(%arg9 : memref<2048xf32, #tpu.memory_space<vmem>>) target_semaphore(%arg14 : memref<!tpu.dma_semaphore, #tpu.memory_space<semaphore_mem>>)
      scf.yield %scan3A_124#0, %scan3A_124#1 : vector<16xf32>, vector<16xf32>
    }
    %scan3A_30 = arith.constant 32 : i32
    %dma_wait3A = arith.constant 0 : i32
    %dma_wait3A_31 = arith.constant 0 : i32
    %dma_wait3A_32 = arith.constant 0 : i32
    %dma_wait3A_33 = tpu.memref_slice %arg4[%shift_right_logical3A_1, %dma_wait3A_31, %dma_wait3A, %dma_wait3A_32] : memref<8x20x64x2048xf32, #tpu.memory_space<hbm>> -> memref<1x20x1x512xf32, #tpu.memory_space<hbm>>
    %dma_wait3A_34 = tpu.memref_squeeze %dma_wait3A_33 : memref<1x20x1x512xf32, #tpu.memory_space<hbm>> -> memref<20x512xf32, #tpu.memory_space<hbm>>
    %dma_wait3A_35 = arith.constant 0 : i32
    %dma_wait3A_36 = arith.constant 0 : i32
    %dma_wait3A_37 = tpu.memref_slice %arg4[%shift_right_logical3A_1, %dma_wait3A_35, %dma_wait3A, %dma_wait3A_36] : memref<8x20x64x2048xf32, #tpu.memory_space<hbm>> -> memref<1x20x1x512xf32, #tpu.memory_space<hbm>>
    %dma_wait3A_38 = tpu.memref_squeeze %dma_wait3A_37 : memref<1x20x1x512xf32, #tpu.memory_space<hbm>> -> memref<20x512xf32, #tpu.memory_space<hbm>>
    tpu.wait_dma2 semaphore(%arg15 : memref<!tpu.dma_semaphore, #tpu.memory_space<semaphore_mem>>) src(%arg10 : memref<20x512xf32, #tpu.memory_space<vmem>>) dst(%dma_wait3A_38 : memref<20x512xf32, #tpu.memory_space<hbm>>)
    %dma_wait3A_39 = arith.constant 0 : i32
    %dma_wait3A_40 = arith.constant 0 : i32
    %dma_wait3A_41 = arith.constant 0 : i32
    %dma_wait3A_42 = tpu.memref_slice %arg4[%shift_right_logical3A_1, %dma_wait3A_40, %dma_wait3A_39, %dma_wait3A_41] : memref<8x20x64x2048xf32, #tpu.memory_space<hbm>> -> memref<1x20x1x512xf32, #tpu.memory_space<hbm>>
    %dma_wait3A_43 = tpu.memref_squeeze %dma_wait3A_42 : memref<1x20x1x512xf32, #tpu.memory_space<hbm>> -> memref<20x512xf32, #tpu.memory_space<hbm>>
    %dma_wait3A_44 = arith.constant 0 : i32
    %dma_wait3A_45 = arith.constant 0 : i32
    %dma_wait3A_46 = tpu.memref_slice %arg4[%shift_right_logical3A_1, %dma_wait3A_44, %dma_wait3A_39, %dma_wait3A_45] : memref<8x20x64x2048xf32, #tpu.memory_space<hbm>> -> memref<1x20x1x512xf32, #tpu.memory_space<hbm>>
    %dma_wait3A_47 = tpu.memref_squeeze %dma_wait3A_46 : memref<1x20x1x512xf32, #tpu.memory_space<hbm>> -> memref<20x512xf32, #tpu.memory_space<hbm>>
    tpu.wait_dma2 semaphore(%arg16 : memref<!tpu.dma_semaphore, #tpu.memory_space<semaphore_mem>>) src(%arg11 : memref<20x512xf32, #tpu.memory_space<vmem>>) dst(%dma_wait3A_47 : memref<20x512xf32, #tpu.memory_space<hbm>>)
    %dma_wait3A_48 = arith.constant 0 : i32
    %dma_wait3A_49 = arith.constant 0 : i32
    %dma_wait3A_50 = tpu.memref_slice %arg2[%shift_right_logical3A_1, %dma_wait3A_48, %dma_wait3A_49] : memref<8x64x2048xf32, #tpu.memory_space<hbm>> -> memref<1x1x2048xf32, #tpu.memory_space<hbm>>
    %dma_wait3A_51 = tpu.memref_squeeze %dma_wait3A_50 : memref<1x1x2048xf32, #tpu.memory_space<hbm>> -> memref<2048xf32, #tpu.memory_space<hbm>>
    %dma_wait3A_52 = arith.constant 0 : i32
    %dma_wait3A_53 = tpu.memref_slice %arg2[%shift_right_logical3A_1, %dma_wait3A_48, %dma_wait3A_52] : memref<8x64x2048xf32, #tpu.memory_space<hbm>> -> memref<1x1x2048xf32, #tpu.memory_space<hbm>>
    %dma_wait3A_54 = tpu.memref_squeeze %dma_wait3A_53 : memref<1x1x2048xf32, #tpu.memory_space<hbm>> -> memref<2048xf32, #tpu.memory_space<hbm>>
    tpu.wait_dma2 semaphore(%arg13 : memref<!tpu.dma_semaphore, #tpu.memory_space<semaphore_mem>>) src(%dma_wait3A_54 : memref<2048xf32, #tpu.memory_space<hbm>>) dst(%arg8 : memref<2048xf32, #tpu.memory_space<vmem>>)
    %dma_wait3A_55 = arith.constant 0 : i32
    %dma_wait3A_56 = arith.constant 0 : i32
    %dma_wait3A_57 = tpu.memref_slice %arg2[%shift_right_logical3A_1, %dma_wait3A_55, %dma_wait3A_56] : memref<8x64x2048xf32, #tpu.memory_space<hbm>> -> memref<1x1x2048xf32, #tpu.memory_space<hbm>>
    %dma_wait3A_58 = tpu.memref_squeeze %dma_wait3A_57 : memref<1x1x2048xf32, #tpu.memory_space<hbm>> -> memref<2048xf32, #tpu.memory_space<hbm>>
    %dma_wait3A_59 = arith.constant 0 : i32
    %dma_wait3A_60 = tpu.memref_slice %arg2[%shift_right_logical3A_1, %dma_wait3A_55, %dma_wait3A_59] : memref<8x64x2048xf32, #tpu.memory_space<hbm>> -> memref<1x1x2048xf32, #tpu.memory_space<hbm>>
    %dma_wait3A_61 = tpu.memref_squeeze %dma_wait3A_60 : memref<1x1x2048xf32, #tpu.memory_space<hbm>> -> memref<2048xf32, #tpu.memory_space<hbm>>
    tpu.wait_dma2 semaphore(%arg14 : memref<!tpu.dma_semaphore, #tpu.memory_space<semaphore_mem>>) src(%dma_wait3A_61 : memref<2048xf32, #tpu.memory_space<hbm>>) dst(%arg9 : memref<2048xf32, #tpu.memory_space<vmem>>)
    %swap3A = arith.constant 0 : index
    %swap3A_62 = tpu.vector_load %arg12[%swap3A] {strides = array<i32>} : memref<32xf32, #tpu.memory_space<vmem>>, vector<16xf32>,
    tpu.vector_store %arg12[%swap3A], %scan3A_29#0 {strides = array<i32>} : memref<32xf32, #tpu.memory_space<vmem>>, vector<16xf32>,
    %swap3A_63 = arith.constant 16 : index
    %swap3A_64 = tpu.vector_load %arg12[%swap3A_63] {strides = array<i32>} : memref<32xf32, #tpu.memory_space<vmem>>, vector<16xf32>,
    tpu.vector_store %arg12[%swap3A_63], %scan3A_29#1 {strides = array<i32>} : memref<32xf32, #tpu.memory_space<vmem>>, vector<16xf32>,
    "tpu.region"() ({
      %run_scoped3A = tpu.sem_alloc : memref<!tpu.dma_semaphore, #tpu.memory_space<semaphore_mem>>
      %dma_start3A_65 = arith.constant 0 : i32
      %dma_start3A_66 = tpu.memref_slice %arg5[%add3A, %dma_start3A_65] : memref<32x32xf32, #tpu.memory_space<hbm>> -> memref<1x32xf32, #tpu.memory_space<hbm>>
      %dma_start3A_67 = tpu.memref_squeeze %dma_start3A_66 : memref<1x32xf32, #tpu.memory_space<hbm>> -> memref<32xf32, #tpu.memory_space<hbm>>
      %dma_start3A_68 = arith.constant 0 : i32
      %dma_start3A_69 = tpu.memref_slice %arg5[%add3A, %dma_start3A_68] : memref<32x32xf32, #tpu.memory_space<hbm>> -> memref<1x32xf32, #tpu.memory_space<hbm>>
      %dma_start3A_70 = tpu.memref_squeeze %dma_start3A_69 : memref<1x32xf32, #tpu.memory_space<hbm>> -> memref<32xf32, #tpu.memory_space<hbm>>
      tpu.enqueue_dma source(%arg12 : memref<32xf32, #tpu.memory_space<vmem>>) target(%dma_start3A_70 : memref<32xf32, #tpu.memory_space<hbm>>) target_semaphore(%run_scoped3A : memref<!tpu.dma_semaphore, #tpu.memory_space<semaphore_mem>>)
      %dma_wait3A_71 = arith.constant 0 : i32
      %dma_wait3A_72 = tpu.memref_slice %arg5[%add3A, %dma_wait3A_71] : memref<32x32xf32, #tpu.memory_space<hbm>> -> memref<1x32xf32, #tpu.memory_space<hbm>>
      %dma_wait3A_73 = tpu.memref_squeeze %dma_wait3A_72 : memref<1x32xf32, #tpu.memory_space<hbm>> -> memref<32xf32, #tpu.memory_space<hbm>>
      %dma_wait3A_74 = arith.constant 0 : i32
      %dma_wait3A_75 = tpu.memref_slice %arg5[%add3A, %dma_wait3A_74] : memref<32x32xf32, #tpu.memory_space<hbm>> -> memref<1x32xf32, #tpu.memory_space<hbm>>
      %dma_wait3A_76 = tpu.memref_squeeze %dma_wait3A_75 : memref<1x32xf32, #tpu.memory_space<hbm>> -> memref<32xf32, #tpu.memory_space<hbm>>
      tpu.wait_dma2 semaphore(%run_scoped3A : memref<!tpu.dma_semaphore, #tpu.memory_space<semaphore_mem>>) src(%arg12 : memref<32xf32, #tpu.memory_space<vmem>>) dst(%dma_wait3A_76 : memref<32xf32, #tpu.memory_space<hbm>>)
      tpu.yield
    }) : () -> ()
    return
  }
}

module attributes {stable_mosaic.version = 14 : i64} {
  func.func @_final_body(%arg0: i32, %arg1: i32, %arg2: memref<1x20x64x512xf32, #tpu.memory_space<vmem>>, %arg3: memref<1x64x512xf32, #tpu.memory_space<vmem>>, %arg4: memref<32x32xf32, #tpu.memory_space<vmem>>, %arg5: memref<64x1xf32, #tpu.memory_space<vmem>>, %arg6: memref<64x1xf32, #tpu.memory_space<vmem>>, %arg7: memref<1x20x128x512xf32, #tpu.memory_space<vmem>>) attributes {dimension_semantics = [#tpu.dimension_semantics<arbitrary>, #tpu.dimension_semantics<arbitrary>], iteration_bounds = array<i64: 8, 4>, scalar_prefetch = 0 : i64, scratch_operands = 0 : i64, tpu.core_type = #tpu.core_type<tc>, window_params = [{transform_indices = @transform_0, window_bounds = array<i64: 1, 20, 64, 512>}, {transform_indices = @transform_1, window_bounds = array<i64: 1, 64, 512>}, {pipeline_mode = #tpu.pipeline_mode<synchronous>, transform_indices = @transform_2, window_bounds = array<i64: 32, 32>}, {pipeline_mode = #tpu.pipeline_mode<synchronous>, transform_indices = @transform_3, window_bounds = array<i64: 64, 1>}, {pipeline_mode = #tpu.pipeline_mode<synchronous>, transform_indices = @transform_4, window_bounds = array<i64: 64, 1>}, {transform_indices = @transform_5, window_bounds = array<i64: 1, 20, 128, 512>}]} {
    %get3A = arith.constant 0 : index
    %get3A_0 = arith.constant 0 : index
    %get3A_1 = vector.load %arg4[%get3A, %get3A_0] : memref<32x32xf32, #tpu.memory_space<vmem>>, vector<32x16xf32>
    %reduce_sum3A = vector.shape_cast %get3A_1 : vector<32x16xf32> to vector<1x32x16xf32>
    %reduce_sum3A_2 = arith.constant dense<0.000000e+00> : vector<1xf32>
    %reduce_sum3A_3 = vector.multi_reduction <add>, %reduce_sum3A, %reduce_sum3A_2 [1, 2] : vector<1x32x16xf32> to vector<1xf32>
    %reduce_sum3A_4 = vector.shape_cast %reduce_sum3A_3 : vector<1xf32> to vector<1x1x1xf32>
    %reduce_sum3A_5 = vector.extract %reduce_sum3A_4[0, 0, 0] : f32 from vector<1x1x1xf32>
    %get3A_6 = arith.constant 0 : index
    %get3A_7 = arith.constant 16 : index
    %get3A_8 = vector.load %arg4[%get3A_6, %get3A_7] : memref<32x32xf32, #tpu.memory_space<vmem>>, vector<32x16xf32>
    %reduce_sum3A_9 = vector.shape_cast %get3A_8 : vector<32x16xf32> to vector<1x32x16xf32>
    %reduce_sum3A_10 = arith.constant dense<0.000000e+00> : vector<1xf32>
    %reduce_sum3A_11 = vector.multi_reduction <add>, %reduce_sum3A_9, %reduce_sum3A_10 [1, 2] : vector<1x32x16xf32> to vector<1xf32>
    %reduce_sum3A_12 = vector.shape_cast %reduce_sum3A_11 : vector<1xf32> to vector<1x1x1xf32>
    %reduce_sum3A_13 = vector.extract %reduce_sum3A_12[0, 0, 0] : f32 from vector<1x1x1xf32>
    %mul3A = arith.mulf %reduce_sum3A_5, %reduce_sum3A_5 : f32
    %div3A = arith.constant 0x4BA00000 : f32
    %div3A_14 = arith.divf %mul3A, %div3A : f32
    %sub3A = arith.subf %reduce_sum3A_13, %div3A_14 : f32
    %div3A_15 = arith.constant 0x4BA00000 : f32
    %div3A_16 = arith.divf %sub3A, %div3A_15 : f32
    %sqrt3A = math.sqrt %div3A_16 : f32
    %add3A = arith.constant 9.99999974E-6 : f32
    %add3A_17 = arith.addf %sqrt3A, %add3A : f32
    %div3A_18 = arith.constant 1.000000e+00 : f32
    %div3A_19 = arith.divf %div3A_18, %add3A_17 : f32
    %get3A_20 = arith.constant 0 : index
    %get3A_21 = arith.constant 0 : index
    %get3A_22 = vector.load %arg5[%get3A_20, %get3A_21] : memref<64x1xf32, #tpu.memory_space<vmem>>, vector<64x1xf32>
    %reshape3A = vector.shape_cast %get3A_22 : vector<64x1xf32> to vector<1x64x1xf32>
    %get3A_23 = arith.constant 0 : index
    %get3A_24 = arith.constant 0 : index
    %get3A_25 = vector.load %arg6[%get3A_23, %get3A_24] : memref<64x1xf32, #tpu.memory_space<vmem>>, vector<64x1xf32>
    %reshape3A_26 = vector.shape_cast %get3A_25 : vector<64x1xf32> to vector<1x64x1xf32>
    %get3A_27 = arith.constant 0 : index
    %get3A_28 = arith.constant 0 : index
    %get3A_29 = arith.constant 0 : index
    %get3A_30 = arith.constant 0 : index
    %get3A_31 = vector.load %arg2[%get3A_27, %get3A_28, %get3A_29, %get3A_30] : memref<1x20x64x512xf32, #tpu.memory_space<vmem>>, vector<1x20x64x512xf32>
    %get3A_32 = vector.shape_cast %get3A_31 : vector<1x20x64x512xf32> to vector<20x64x512xf32>
    %mul3A_33 = vector.broadcast %div3A_19 : f32 to vector<20x64x512xf32>
    %mul3A_34 = arith.mulf %get3A_32, %mul3A_33 : vector<20x64x512xf32>
    %mul3A_35 = vector.broadcast %reshape3A : vector<1x64x1xf32> to vector<20x64x512xf32>
    %mul3A_36 = arith.mulf %mul3A_35, %mul3A_34 : vector<20x64x512xf32>
    %add3A_37 = vector.broadcast %reshape3A_26 : vector<1x64x1xf32> to vector<20x64x512xf32>
    %add3A_38 = arith.addf %mul3A_36, %add3A_37 : vector<20x64x512xf32>
    %swap3A = arith.constant 0 : index
    %swap3A_39 = arith.constant 0 : index
    %swap3A_40 = arith.constant 0 : index
    %swap3A_41 = arith.constant 0 : index
    %swap3A_42 = vector.load %arg7[%swap3A, %swap3A_39, %swap3A_40, %swap3A_41] : memref<1x20x128x512xf32, #tpu.memory_space<vmem>>, vector<1x20x64x512xf32>
    %swap3A_43 = vector.shape_cast %swap3A_42 : vector<1x20x64x512xf32> to vector<20x64x512xf32>
    %swap3A_44 = vector.shape_cast %add3A_38 : vector<20x64x512xf32> to vector<1x20x64x512xf32>
    tpu.vector_store %arg7[%swap3A, %swap3A_39, %swap3A_40, %swap3A_41], %swap3A_44 {strides = array<i32>} : memref<1x20x128x512xf32, #tpu.memory_space<vmem>>, vector<1x20x64x512xf32>,
    %get3A_45 = arith.constant 0 : index
    %get3A_46 = arith.constant 0 : index
    %get3A_47 = arith.constant 0 : index
    %get3A_48 = vector.load %arg3[%get3A_45, %get3A_46, %get3A_47] : memref<1x64x512xf32, #tpu.memory_space<vmem>>, vector<1x64x512xf32>
    %get3A_49 = vector.shape_cast %get3A_48 : vector<1x64x512xf32> to vector<64x512xf32>
    %broadcast_in_dim3A = vector.shape_cast %get3A_49 : vector<64x512xf32> to vector<1x64x512xf32>
    %broadcast_in_dim3A_50 = vector.shape_cast %broadcast_in_dim3A : vector<1x64x512xf32> to vector<1x64x512xf32>
    %broadcast_in_dim3A_51 = vector.broadcast %broadcast_in_dim3A_50 : vector<1x64x512xf32> to vector<20x64x512xf32>
    %swap3A_52 = arith.constant 0 : index
    %swap3A_53 = arith.constant 0 : index
    %swap3A_54 = arith.constant 64 : index
    %swap3A_55 = arith.constant 0 : index
    %swap3A_56 = vector.load %arg7[%swap3A_52, %swap3A_53, %swap3A_54, %swap3A_55] : memref<1x20x128x512xf32, #tpu.memory_space<vmem>>, vector<1x20x64x512xf32>
    %swap3A_57 = vector.shape_cast %swap3A_56 : vector<1x20x64x512xf32> to vector<20x64x512xf32>
    %swap3A_58 = vector.shape_cast %broadcast_in_dim3A_51 : vector<20x64x512xf32> to vector<1x20x64x512xf32>
    tpu.vector_store %arg7[%swap3A_52, %swap3A_53, %swap3A_54, %swap3A_55], %swap3A_58 {strides = array<i32>} : memref<1x20x128x512xf32, #tpu.memory_space<vmem>>, vector<1x20x64x512xf32>,
    return
  }
  func.func @transform_0(%arg0: i32, %arg1: i32) -> (i32, i32, i32, i32) {
    %c0_i32 = arith.constant 0 : i32
    %c0_i32_0 = arith.constant 0 : i32
    %c0_i32_1 = arith.constant 0 : i32
    return %arg0, %c0_i32, %c0_i32_0, %arg1 : i32, i32, i32, i32
  }
  func.func @transform_1(%arg0: i32, %arg1: i32) -> (i32, i32, i32) {
    %c0_i32 = arith.constant 0 : i32
    %c0_i32_0 = arith.constant 0 : i32
    return %arg0, %c0_i32, %arg1 : i32, i32, i32
  }
  func.func @transform_2(%arg0: i32, %arg1: i32) -> (i32, i32) {
    %c0_i32 = arith.constant 0 : i32
    %c0_i32_0 = arith.constant 0 : i32
    %c0_i32_1 = arith.constant 0 : i32
    return %c0_i32, %c0_i32_0 : i32, i32
  }
  func.func @transform_3(%arg0: i32, %arg1: i32) -> (i32, i32) {
    %c0_i32 = arith.constant 0 : i32
    %c0_i32_0 = arith.constant 0 : i32
    %c0_i32_1 = arith.constant 0 : i32
    return %c0_i32, %c0_i32_0 : i32, i32
  }
  func.func @transform_4(%arg0: i32, %arg1: i32) -> (i32, i32) {
    %c0_i32 = arith.constant 0 : i32
    %c0_i32_0 = arith.constant 0 : i32
    %c0_i32_1 = arith.constant 0 : i32
    return %c0_i32, %c0_i32_0 : i32, i32
  }
  func.func @transform_5(%arg0: i32, %arg1: i32) -> (i32, i32, i32, i32) {
    %c0_i32 = arith.constant 0 : i32
    %c0_i32_0 = arith.constant 0 : i32
    %c0_i32_1 = arith.constant 0 : i32
    return %arg0, %c0_i32, %c0_i32_0, %arg1 : i32, i32, i32, i32
  }
}

module attributes {stable_mosaic.version = 14 : i64} {
  func.func @_topk_body(%arg0: i32, %arg1: i32, %arg2: memref<1x64x256xf32, #tpu.memory_space<vmem>>, %arg3: memref<1x64x2048xf32, #tpu.memory_space<vmem>>, %arg4: memref<1x256x128xi32, #tpu.memory_space<vmem>>) attributes {dimension_semantics = [#tpu.dimension_semantics<arbitrary>, #tpu.dimension_semantics<arbitrary>], iteration_bounds = array<i64: 8, 8>, scalar_prefetch = 0 : i64, scratch_operands = 0 : i64, tpu.core_type = #tpu.core_type<tc>, window_params = [{transform_indices = @transform_0, window_bounds = array<i64: 1, 64, 256>}, {transform_indices = @transform_1, window_bounds = array<i64: 1, 64, 2048>}, {transform_indices = @transform_2, window_bounds = array<i64: 1, 256, 128>}]} {
    %get3A = arith.constant 0 : index
    %get3A_0 = arith.constant 0 : index
    %get3A_1 = arith.constant 0 : index
    %get3A_2 = vector.load %arg2[%get3A, %get3A_0, %get3A_1] : memref<1x64x256xf32, #tpu.memory_space<vmem>>, vector<1x64x256xf32>
    %get3A_3 = vector.shape_cast %get3A_2 : vector<1x64x256xf32> to vector<64x256xf32>
    %get3A_4 = arith.constant 0 : index
    %get3A_5 = arith.constant 0 : index
    %get3A_6 = arith.constant 0 : index
    %get3A_7 = vector.load %arg3[%get3A_4, %get3A_5, %get3A_6] : memref<1x64x2048xf32, #tpu.memory_space<vmem>>, vector<1x64x2048xf32>
    %get3A_8 = vector.shape_cast %get3A_7 : vector<1x64x2048xf32> to vector<64x2048xf32>
    %dot_general3A = arith.constant dense<0.000000e+00> : vector<256x2048xf32>
    %dot_general3A_9 = tpu.matmul %get3A_3, %get3A_8, %dot_general3A {dimension_numbers = #tpu.dot_dimension_numbers<[0], [0], [1], [1], [0, 1, 1, 1], [], []>, transpose_lhs_hint = false} : vector<64x256xf32>, vector<64x2048xf32>, vector<256x2048xf32> -> vector<256x2048xf32>
    %mul3A = arith.constant -2.000000e+00 : f32
    %mul3A_10 = vector.broadcast %mul3A : f32 to vector<256x2048xf32>
    %mul3A_11 = arith.mulf %mul3A_10, %dot_general3A_9 : vector<256x2048xf32>
    %mul3A_12 = arith.mulf %get3A_8, %get3A_8 : vector<64x2048xf32>
    %reduce_sum3A = arith.constant dense<0.000000e+00> : vector<2048xf32>
    %reduce_sum3A_13 = vector.multi_reduction <add>, %mul3A_12, %reduce_sum3A [0] : vector<64x2048xf32> to vector<2048xf32>
    %broadcast_in_dim3A = vector.shape_cast %reduce_sum3A_13 : vector<2048xf32> to vector<1x2048xf32>
    %broadcast_in_dim3A_14 = arith.constant 1.000000e+00 : f32
    %broadcast_in_dim3A_15 = vector.broadcast %broadcast_in_dim3A_14 : f32 to vector<64x1xf32>
    %mul3A_16 = arith.mulf %get3A_3, %get3A_3 : vector<64x256xf32>
    %dot_general3A_17 = arith.constant dense<0.000000e+00> : vector<256x1xf32>
    %dot_general3A_18 = tpu.matmul %mul3A_16, %broadcast_in_dim3A_15, %dot_general3A_17 {dimension_numbers = #tpu.dot_dimension_numbers<[0], [0], [1], [1], [0, 1, 1, 1], [], []>, transpose_lhs_hint = false} : vector<64x256xf32>, vector<64x1xf32>, vector<256x1xf32> -> vector<256x1xf32>
    %neg3A = arith.constant 0.000000e+00 : f32
    %neg3A_19 = vector.broadcast %neg3A : f32 to vector<1x2048xf32>
    %neg3A_20 = arith.subf %neg3A_19, %broadcast_in_dim3A : vector<1x2048xf32>
    %sub3A = vector.broadcast %neg3A_20 : vector<1x2048xf32> to vector<256x2048xf32>
    %sub3A_21 = arith.subf %sub3A, %mul3A_11 : vector<256x2048xf32>
    %sub3A_22 = vector.broadcast %dot_general3A_18 : vector<256x1xf32> to vector<256x2048xf32>
    %sub3A_23 = arith.subf %sub3A_21, %sub3A_22 : vector<256x2048xf32>
    %iota3A = tpu.iota {dimensions = array<i32: 1>} : vector<256x2048xi32>
    %reduce_max3A = arith.constant dense<0xFF800000> : vector<256xf32>
    %reduce_max3A_24 = vector.multi_reduction <maximumf>, %sub3A_23, %reduce_max3A [1] : vector<256x2048xf32> to vector<256xf32>
    %broadcast_in_dim3A_25 = vector.shape_cast %reduce_max3A_24 : vector<256xf32> to vector<256x1xf32>
    %eq3A = vector.broadcast %broadcast_in_dim3A_25 : vector<256x1xf32> to vector<256x2048xf32>
    %eq3A_26 = arith.cmpf oeq, %sub3A_23, %eq3A : vector<256x2048xf32>
    %jit3A = arith.constant 2048 : i32
    %broadcast_in_dim3A_27 = vector.broadcast %jit3A : i32 to vector<256x2048xi32>
    %select_n3A = arith.select %eq3A_26, %iota3A, %broadcast_in_dim3A_27 : vector<256x2048xi1>, vector<256x2048xi32>
    %reduce_min3A = arith.constant dense<2147483647> : vector<256xi32>
    %reduce_min3A_28 = vector.multi_reduction <minsi>, %select_n3A, %reduce_min3A [1] : vector<256x2048xi32> to vector<256xi32>
    %broadcast_in_dim3A_29 = vector.shape_cast %reduce_min3A_28 : vector<256xi32> to vector<256x1xi32>
    %eq3A_30 = vector.broadcast %broadcast_in_dim3A_29 : vector<256x1xi32> to vector<256x2048xi32>
    %eq3A_31 = arith.cmpi eq, %iota3A, %eq3A_30 : vector<256x2048xi32>
    %jit3A_32 = arith.constant 0xFF800000 : f32
    %broadcast_in_dim3A_33 = vector.broadcast %jit3A_32 : f32 to vector<256x2048xf32>
    %select_n3A_34 = arith.select %eq3A_31, %broadcast_in_dim3A_33, %sub3A_23 : vector<256x2048xi1>, vector<256x2048xf32>
    %reduce_max3A_35 = arith.constant dense<0xFF800000> : vector<256xf32>
    %reduce_max3A_36 = vector.multi_reduction <maximumf>, %select_n3A_34, %reduce_max3A_35 [1] : vector<256x2048xf32> to vector<256xf32>
    %broadcast_in_dim3A_37 = vector.shape_cast %reduce_max3A_36 : vector<256xf32> to vector<256x1xf32>
    %eq3A_38 = vector.broadcast %broadcast_in_dim3A_37 : vector<256x1xf32> to vector<256x2048xf32>
    %eq3A_39 = arith.cmpf oeq, %select_n3A_34, %eq3A_38 : vector<256x2048xf32>
    %jit3A_40 = arith.constant 2048 : i32
    %broadcast_in_dim3A_41 = vector.broadcast %jit3A_40 : i32 to vector<256x2048xi32>
    %select_n3A_42 = arith.select %eq3A_39, %iota3A, %broadcast_in_dim3A_41 : vector<256x2048xi1>, vector<256x2048xi32>
    %reduce_min3A_43 = arith.constant dense<2147483647> : vector<256xi32>
    %reduce_min3A_44 = vector.multi_reduction <minsi>, %select_n3A_42, %reduce_min3A_43 [1] : vector<256x2048xi32> to vector<256xi32>
    %broadcast_in_dim3A_45 = vector.shape_cast %reduce_min3A_44 : vector<256xi32> to vector<256x1xi32>
    %eq3A_46 = vector.broadcast %broadcast_in_dim3A_45 : vector<256x1xi32> to vector<256x2048xi32>
    %eq3A_47 = arith.cmpi eq, %iota3A, %eq3A_46 : vector<256x2048xi32>
    %jit3A_48 = arith.constant 0xFF800000 : f32
    %broadcast_in_dim3A_49 = vector.broadcast %jit3A_48 : f32 to vector<256x2048xf32>
    %select_n3A_50 = arith.select %eq3A_47, %broadcast_in_dim3A_49, %select_n3A_34 : vector<256x2048xi1>, vector<256x2048xf32>
    %reduce_max3A_51 = arith.constant dense<0xFF800000> : vector<256xf32>
    %reduce_max3A_52 = vector.multi_reduction <maximumf>, %select_n3A_50, %reduce_max3A_51 [1] : vector<256x2048xf32> to vector<256xf32>
    %broadcast_in_dim3A_53 = vector.shape_cast %reduce_max3A_52 : vector<256xf32> to vector<256x1xf32>
    %eq3A_54 = vector.broadcast %broadcast_in_dim3A_53 : vector<256x1xf32> to vector<256x2048xf32>
    %eq3A_55 = arith.cmpf oeq, %select_n3A_50, %eq3A_54 : vector<256x2048xf32>
    %jit3A_56 = arith.constant 2048 : i32
    %broadcast_in_dim3A_57 = vector.broadcast %jit3A_56 : i32 to vector<256x2048xi32>
    %select_n3A_58 = arith.select %eq3A_55, %iota3A, %broadcast_in_dim3A_57 : vector<256x2048xi1>, vector<256x2048xi32>
    %reduce_min3A_59 = arith.constant dense<2147483647> : vector<256xi32>
    %reduce_min3A_60 = vector.multi_reduction <minsi>, %select_n3A_58, %reduce_min3A_59 [1] : vector<256x2048xi32> to vector<256xi32>
    %broadcast_in_dim3A_61 = vector.shape_cast %reduce_min3A_60 : vector<256xi32> to vector<256x1xi32>
    %eq3A_62 = vector.broadcast %broadcast_in_dim3A_61 : vector<256x1xi32> to vector<256x2048xi32>
    %eq3A_63 = arith.cmpi eq, %iota3A, %eq3A_62 : vector<256x2048xi32>
    %jit3A_64 = arith.constant 0xFF800000 : f32
    %broadcast_in_dim3A_65 = vector.broadcast %jit3A_64 : f32 to vector<256x2048xf32>
    %select_n3A_66 = arith.select %eq3A_63, %broadcast_in_dim3A_65, %select_n3A_50 : vector<256x2048xi1>, vector<256x2048xf32>
    %reduce_max3A_67 = arith.constant dense<0xFF800000> : vector<256xf32>
    %reduce_max3A_68 = vector.multi_reduction <maximumf>, %select_n3A_66, %reduce_max3A_67 [1] : vector<256x2048xf32> to vector<256xf32>
    %broadcast_in_dim3A_69 = vector.shape_cast %reduce_max3A_68 : vector<256xf32> to vector<256x1xf32>
    %eq3A_70 = vector.broadcast %broadcast_in_dim3A_69 : vector<256x1xf32> to vector<256x2048xf32>
    %eq3A_71 = arith.cmpf oeq, %select_n3A_66, %eq3A_70 : vector<256x2048xf32>
    %jit3A_72 = arith.constant 2048 : i32
    %broadcast_in_dim3A_73 = vector.broadcast %jit3A_72 : i32 to vector<256x2048xi32>
    %select_n3A_74 = arith.select %eq3A_71, %iota3A, %broadcast_in_dim3A_73 : vector<256x2048xi1>, vector<256x2048xi32>
    %reduce_min3A_75 = arith.constant dense<2147483647> : vector<256xi32>
    %reduce_min3A_76 = vector.multi_reduction <minsi>, %select_n3A_74, %reduce_min3A_75 [1] : vector<256x2048xi32> to vector<256xi32>
    %broadcast_in_dim3A_77 = vector.shape_cast %reduce_min3A_76 : vector<256xi32> to vector<256x1xi32>
    %eq3A_78 = vector.broadcast %broadcast_in_dim3A_77 : vector<256x1xi32> to vector<256x2048xi32>
    %eq3A_79 = arith.cmpi eq, %iota3A, %eq3A_78 : vector<256x2048xi32>
    %jit3A_80 = arith.constant 0xFF800000 : f32
    %broadcast_in_dim3A_81 = vector.broadcast %jit3A_80 : f32 to vector<256x2048xf32>
    %select_n3A_82 = arith.select %eq3A_79, %broadcast_in_dim3A_81, %select_n3A_66 : vector<256x2048xi1>, vector<256x2048xf32>
    %reduce_max3A_83 = arith.constant dense<0xFF800000> : vector<256xf32>
    %reduce_max3A_84 = vector.multi_reduction <maximumf>, %select_n3A_82, %reduce_max3A_83 [1] : vector<256x2048xf32> to vector<256xf32>
    %broadcast_in_dim3A_85 = vector.shape_cast %reduce_max3A_84 : vector<256xf32> to vector<256x1xf32>
    %eq3A_86 = vector.broadcast %broadcast_in_dim3A_85 : vector<256x1xf32> to vector<256x2048xf32>
    %eq3A_87 = arith.cmpf oeq, %select_n3A_82, %eq3A_86 : vector<256x2048xf32>
    %jit3A_88 = arith.constant 2048 : i32
    %broadcast_in_dim3A_89 = vector.broadcast %jit3A_88 : i32 to vector<256x2048xi32>
    %select_n3A_90 = arith.select %eq3A_87, %iota3A, %broadcast_in_dim3A_89 : vector<256x2048xi1>, vector<256x2048xi32>
    %reduce_min3A_91 = arith.constant dense<2147483647> : vector<256xi32>
    %reduce_min3A_92 = vector.multi_reduction <minsi>, %select_n3A_90, %reduce_min3A_91 [1] : vector<256x2048xi32> to vector<256xi32>
    %broadcast_in_dim3A_93 = vector.shape_cast %reduce_min3A_92 : vector<256xi32> to vector<256x1xi32>
    %eq3A_94 = vector.broadcast %broadcast_in_dim3A_93 : vector<256x1xi32> to vector<256x2048xi32>
    %eq3A_95 = arith.cmpi eq, %iota3A, %eq3A_94 : vector<256x2048xi32>
    %jit3A_96 = arith.constant 0xFF800000 : f32
    %broadcast_in_dim3A_97 = vector.broadcast %jit3A_96 : f32 to vector<256x2048xf32>
    %select_n3A_98 = arith.select %eq3A_95, %broadcast_in_dim3A_97, %select_n3A_82 : vector<256x2048xi1>, vector<256x2048xf32>
    %reduce_max3A_99 = arith.constant dense<0xFF800000> : vector<256xf32>
    %reduce_max3A_100 = vector.multi_reduction <maximumf>, %select_n3A_98, %reduce_max3A_99 [1] : vector<256x2048xf32> to vector<256xf32>
    %broadcast_in_dim3A_101 = vector.shape_cast %reduce_max3A_100 : vector<256xf32> to vector<256x1xf32>
    %eq3A_102 = vector.broadcast %broadcast_in_dim3A_101 : vector<256x1xf32> to vector<256x2048xf32>
    %eq3A_103 = arith.cmpf oeq, %select_n3A_98, %eq3A_102 : vector<256x2048xf32>
    %jit3A_104 = arith.constant 2048 : i32
    %broadcast_in_dim3A_105 = vector.broadcast %jit3A_104 : i32 to vector<256x2048xi32>
    %select_n3A_106 = arith.select %eq3A_103, %iota3A, %broadcast_in_dim3A_105 : vector<256x2048xi1>, vector<256x2048xi32>
    %reduce_min3A_107 = arith.constant dense<2147483647> : vector<256xi32>
    %reduce_min3A_108 = vector.multi_reduction <minsi>, %select_n3A_106, %reduce_min3A_107 [1] : vector<256x2048xi32> to vector<256xi32>
    %broadcast_in_dim3A_109 = vector.shape_cast %reduce_min3A_108 : vector<256xi32> to vector<256x1xi32>
    %eq3A_110 = vector.broadcast %broadcast_in_dim3A_109 : vector<256x1xi32> to vector<256x2048xi32>
    %eq3A_111 = arith.cmpi eq, %iota3A, %eq3A_110 : vector<256x2048xi32>
    %jit3A_112 = arith.constant 0xFF800000 : f32
    %broadcast_in_dim3A_113 = vector.broadcast %jit3A_112 : f32 to vector<256x2048xf32>
    %select_n3A_114 = arith.select %eq3A_111, %broadcast_in_dim3A_113, %select_n3A_98 : vector<256x2048xi1>, vector<256x2048xf32>
    %reduce_max3A_115 = arith.constant dense<0xFF800000> : vector<256xf32>
    %reduce_max3A_116 = vector.multi_reduction <maximumf>, %select_n3A_114, %reduce_max3A_115 [1] : vector<256x2048xf32> to vector<256xf32>
    %broadcast_in_dim3A_117 = vector.shape_cast %reduce_max3A_116 : vector<256xf32> to vector<256x1xf32>
    %eq3A_118 = vector.broadcast %broadcast_in_dim3A_117 : vector<256x1xf32> to vector<256x2048xf32>
    %eq3A_119 = arith.cmpf oeq, %select_n3A_114, %eq3A_118 : vector<256x2048xf32>
    %jit3A_120 = arith.constant 2048 : i32
    %broadcast_in_dim3A_121 = vector.broadcast %jit3A_120 : i32 to vector<256x2048xi32>
    %select_n3A_122 = arith.select %eq3A_119, %iota3A, %broadcast_in_dim3A_121 : vector<256x2048xi1>, vector<256x2048xi32>
    %reduce_min3A_123 = arith.constant dense<2147483647> : vector<256xi32>
    %reduce_min3A_124 = vector.multi_reduction <minsi>, %select_n3A_122, %reduce_min3A_123 [1] : vector<256x2048xi32> to vector<256xi32>
    %broadcast_in_dim3A_125 = vector.shape_cast %reduce_min3A_124 : vector<256xi32> to vector<256x1xi32>
    %eq3A_126 = vector.broadcast %broadcast_in_dim3A_125 : vector<256x1xi32> to vector<256x2048xi32>
    %eq3A_127 = arith.cmpi eq, %iota3A, %eq3A_126 : vector<256x2048xi32>
    %jit3A_128 = arith.constant 0xFF800000 : f32
    %broadcast_in_dim3A_129 = vector.broadcast %jit3A_128 : f32 to vector<256x2048xf32>
    %select_n3A_130 = arith.select %eq3A_127, %broadcast_in_dim3A_129, %select_n3A_114 : vector<256x2048xi1>, vector<256x2048xf32>
    %reduce_max3A_131 = arith.constant dense<0xFF800000> : vector<256xf32>
    %reduce_max3A_132 = vector.multi_reduction <maximumf>, %select_n3A_130, %reduce_max3A_131 [1] : vector<256x2048xf32> to vector<256xf32>
    %broadcast_in_dim3A_133 = vector.shape_cast %reduce_max3A_132 : vector<256xf32> to vector<256x1xf32>
    %eq3A_134 = vector.broadcast %broadcast_in_dim3A_133 : vector<256x1xf32> to vector<256x2048xf32>
    %eq3A_135 = arith.cmpf oeq, %select_n3A_130, %eq3A_134 : vector<256x2048xf32>
    %jit3A_136 = arith.constant 2048 : i32
    %broadcast_in_dim3A_137 = vector.broadcast %jit3A_136 : i32 to vector<256x2048xi32>
    %select_n3A_138 = arith.select %eq3A_135, %iota3A, %broadcast_in_dim3A_137 : vector<256x2048xi1>, vector<256x2048xi32>
    %reduce_min3A_139 = arith.constant dense<2147483647> : vector<256xi32>
    %reduce_min3A_140 = vector.multi_reduction <minsi>, %select_n3A_138, %reduce_min3A_139 [1] : vector<256x2048xi32> to vector<256xi32>
    %broadcast_in_dim3A_141 = vector.shape_cast %reduce_min3A_140 : vector<256xi32> to vector<256x1xi32>
    %eq3A_142 = vector.broadcast %broadcast_in_dim3A_141 : vector<256x1xi32> to vector<256x2048xi32>
    %eq3A_143 = arith.cmpi eq, %iota3A, %eq3A_142 : vector<256x2048xi32>
    %jit3A_144 = arith.constant 0xFF800000 : f32
    %broadcast_in_dim3A_145 = vector.broadcast %jit3A_144 : f32 to vector<256x2048xf32>
    %select_n3A_146 = arith.select %eq3A_143, %broadcast_in_dim3A_145, %select_n3A_130 : vector<256x2048xi1>, vector<256x2048xf32>
    %reduce_max3A_147 = arith.constant dense<0xFF800000> : vector<256xf32>
    %reduce_max3A_148 = vector.multi_reduction <maximumf>, %select_n3A_146, %reduce_max3A_147 [1] : vector<256x2048xf32> to vector<256xf32>
    %broadcast_in_dim3A_149 = vector.shape_cast %reduce_max3A_148 : vector<256xf32> to vector<256x1xf32>
    %eq3A_150 = vector.broadcast %broadcast_in_dim3A_149 : vector<256x1xf32> to vector<256x2048xf32>
    %eq3A_151 = arith.cmpf oeq, %select_n3A_146, %eq3A_150 : vector<256x2048xf32>
    %jit3A_152 = arith.constant 2048 : i32
    %broadcast_in_dim3A_153 = vector.broadcast %jit3A_152 : i32 to vector<256x2048xi32>
    %select_n3A_154 = arith.select %eq3A_151, %iota3A, %broadcast_in_dim3A_153 : vector<256x2048xi1>, vector<256x2048xi32>
    %reduce_min3A_155 = arith.constant dense<2147483647> : vector<256xi32>
    %reduce_min3A_156 = vector.multi_reduction <minsi>, %select_n3A_154, %reduce_min3A_155 [1] : vector<256x2048xi32> to vector<256xi32>
    %broadcast_in_dim3A_157 = vector.shape_cast %reduce_min3A_156 : vector<256xi32> to vector<256x1xi32>
    %eq3A_158 = vector.broadcast %broadcast_in_dim3A_157 : vector<256x1xi32> to vector<256x2048xi32>
    %eq3A_159 = arith.cmpi eq, %iota3A, %eq3A_158 : vector<256x2048xi32>
    %jit3A_160 = arith.constant 0xFF800000 : f32
    %broadcast_in_dim3A_161 = vector.broadcast %jit3A_160 : f32 to vector<256x2048xf32>
    %select_n3A_162 = arith.select %eq3A_159, %broadcast_in_dim3A_161, %select_n3A_146 : vector<256x2048xi1>, vector<256x2048xf32>
    %reduce_max3A_163 = arith.constant dense<0xFF800000> : vector<256xf32>
    %reduce_max3A_164 = vector.multi_reduction <maximumf>, %select_n3A_162, %reduce_max3A_163 [1] : vector<256x2048xf32> to vector<256xf32>
    %broadcast_in_dim3A_165 = vector.shape_cast %reduce_max3A_164 : vector<256xf32> to vector<256x1xf32>
    %eq3A_166 = vector.broadcast %broadcast_in_dim3A_165 : vector<256x1xf32> to vector<256x2048xf32>
    %eq3A_167 = arith.cmpf oeq, %select_n3A_162, %eq3A_166 : vector<256x2048xf32>
    %jit3A_168 = arith.constant 2048 : i32
    %broadcast_in_dim3A_169 = vector.broadcast %jit3A_168 : i32 to vector<256x2048xi32>
    %select_n3A_170 = arith.select %eq3A_167, %iota3A, %broadcast_in_dim3A_169 : vector<256x2048xi1>, vector<256x2048xi32>
    %reduce_min3A_171 = arith.constant dense<2147483647> : vector<256xi32>
    %reduce_min3A_172 = vector.multi_reduction <minsi>, %select_n3A_170, %reduce_min3A_171 [1] : vector<256x2048xi32> to vector<256xi32>
    %broadcast_in_dim3A_173 = vector.shape_cast %reduce_min3A_172 : vector<256xi32> to vector<256x1xi32>
    %eq3A_174 = vector.broadcast %broadcast_in_dim3A_173 : vector<256x1xi32> to vector<256x2048xi32>
    %eq3A_175 = arith.cmpi eq, %iota3A, %eq3A_174 : vector<256x2048xi32>
    %jit3A_176 = arith.constant 0xFF800000 : f32
    %broadcast_in_dim3A_177 = vector.broadcast %jit3A_176 : f32 to vector<256x2048xf32>
    %select_n3A_178 = arith.select %eq3A_175, %broadcast_in_dim3A_177, %select_n3A_162 : vector<256x2048xi1>, vector<256x2048xf32>
    %reduce_max3A_179 = arith.constant dense<0xFF800000> : vector<256xf32>
    %reduce_max3A_180 = vector.multi_reduction <maximumf>, %select_n3A_178, %reduce_max3A_179 [1] : vector<256x2048xf32> to vector<256xf32>
    %broadcast_in_dim3A_181 = vector.shape_cast %reduce_max3A_180 : vector<256xf32> to vector<256x1xf32>
    %eq3A_182 = vector.broadcast %broadcast_in_dim3A_181 : vector<256x1xf32> to vector<256x2048xf32>
    %eq3A_183 = arith.cmpf oeq, %select_n3A_178, %eq3A_182 : vector<256x2048xf32>
    %jit3A_184 = arith.constant 2048 : i32
    %broadcast_in_dim3A_185 = vector.broadcast %jit3A_184 : i32 to vector<256x2048xi32>
    %select_n3A_186 = arith.select %eq3A_183, %iota3A, %broadcast_in_dim3A_185 : vector<256x2048xi1>, vector<256x2048xi32>
    %reduce_min3A_187 = arith.constant dense<2147483647> : vector<256xi32>
    %reduce_min3A_188 = vector.multi_reduction <minsi>, %select_n3A_186, %reduce_min3A_187 [1] : vector<256x2048xi32> to vector<256xi32>
    %broadcast_in_dim3A_189 = vector.shape_cast %reduce_min3A_188 : vector<256xi32> to vector<256x1xi32>
    %eq3A_190 = vector.broadcast %broadcast_in_dim3A_189 : vector<256x1xi32> to vector<256x2048xi32>
    %eq3A_191 = arith.cmpi eq, %iota3A, %eq3A_190 : vector<256x2048xi32>
    %jit3A_192 = arith.constant 0xFF800000 : f32
    %broadcast_in_dim3A_193 = vector.broadcast %jit3A_192 : f32 to vector<256x2048xf32>
    %select_n3A_194 = arith.select %eq3A_191, %broadcast_in_dim3A_193, %select_n3A_178 : vector<256x2048xi1>, vector<256x2048xf32>
    %reduce_max3A_195 = arith.constant dense<0xFF800000> : vector<256xf32>
    %reduce_max3A_196 = vector.multi_reduction <maximumf>, %select_n3A_194, %reduce_max3A_195 [1] : vector<256x2048xf32> to vector<256xf32>
    %broadcast_in_dim3A_197 = vector.shape_cast %reduce_max3A_196 : vector<256xf32> to vector<256x1xf32>
    %eq3A_198 = vector.broadcast %broadcast_in_dim3A_197 : vector<256x1xf32> to vector<256x2048xf32>
    %eq3A_199 = arith.cmpf oeq, %select_n3A_194, %eq3A_198 : vector<256x2048xf32>
    %jit3A_200 = arith.constant 2048 : i32
    %broadcast_in_dim3A_201 = vector.broadcast %jit3A_200 : i32 to vector<256x2048xi32>
    %select_n3A_202 = arith.select %eq3A_199, %iota3A, %broadcast_in_dim3A_201 : vector<256x2048xi1>, vector<256x2048xi32>
    %reduce_min3A_203 = arith.constant dense<2147483647> : vector<256xi32>
    %reduce_min3A_204 = vector.multi_reduction <minsi>, %select_n3A_202, %reduce_min3A_203 [1] : vector<256x2048xi32> to vector<256xi32>
    %broadcast_in_dim3A_205 = vector.shape_cast %reduce_min3A_204 : vector<256xi32> to vector<256x1xi32>
    %eq3A_206 = vector.broadcast %broadcast_in_dim3A_205 : vector<256x1xi32> to vector<256x2048xi32>
    %eq3A_207 = arith.cmpi eq, %iota3A, %eq3A_206 : vector<256x2048xi32>
    %jit3A_208 = arith.constant 0xFF800000 : f32
    %broadcast_in_dim3A_209 = vector.broadcast %jit3A_208 : f32 to vector<256x2048xf32>
    %select_n3A_210 = arith.select %eq3A_207, %broadcast_in_dim3A_209, %select_n3A_194 : vector<256x2048xi1>, vector<256x2048xf32>
    %reduce_max3A_211 = arith.constant dense<0xFF800000> : vector<256xf32>
    %reduce_max3A_212 = vector.multi_reduction <maximumf>, %select_n3A_210, %reduce_max3A_211 [1] : vector<256x2048xf32> to vector<256xf32>
    %broadcast_in_dim3A_213 = vector.shape_cast %reduce_max3A_212 : vector<256xf32> to vector<256x1xf32>
    %eq3A_214 = vector.broadcast %broadcast_in_dim3A_213 : vector<256x1xf32> to vector<256x2048xf32>
    %eq3A_215 = arith.cmpf oeq, %select_n3A_210, %eq3A_214 : vector<256x2048xf32>
    %jit3A_216 = arith.constant 2048 : i32
    %broadcast_in_dim3A_217 = vector.broadcast %jit3A_216 : i32 to vector<256x2048xi32>
    %select_n3A_218 = arith.select %eq3A_215, %iota3A, %broadcast_in_dim3A_217 : vector<256x2048xi1>, vector<256x2048xi32>
    %reduce_min3A_219 = arith.constant dense<2147483647> : vector<256xi32>
    %reduce_min3A_220 = vector.multi_reduction <minsi>, %select_n3A_218, %reduce_min3A_219 [1] : vector<256x2048xi32> to vector<256xi32>
    %broadcast_in_dim3A_221 = vector.shape_cast %reduce_min3A_220 : vector<256xi32> to vector<256x1xi32>
    %eq3A_222 = vector.broadcast %broadcast_in_dim3A_221 : vector<256x1xi32> to vector<256x2048xi32>
    %eq3A_223 = arith.cmpi eq, %iota3A, %eq3A_222 : vector<256x2048xi32>
    %jit3A_224 = arith.constant 0xFF800000 : f32
    %broadcast_in_dim3A_225 = vector.broadcast %jit3A_224 : f32 to vector<256x2048xf32>
    %select_n3A_226 = arith.select %eq3A_223, %broadcast_in_dim3A_225, %select_n3A_210 : vector<256x2048xi1>, vector<256x2048xf32>
    %reduce_max3A_227 = arith.constant dense<0xFF800000> : vector<256xf32>
    %reduce_max3A_228 = vector.multi_reduction <maximumf>, %select_n3A_226, %reduce_max3A_227 [1] : vector<256x2048xf32> to vector<256xf32>
    %broadcast_in_dim3A_229 = vector.shape_cast %reduce_max3A_228 : vector<256xf32> to vector<256x1xf32>
    %eq3A_230 = vector.broadcast %broadcast_in_dim3A_229 : vector<256x1xf32> to vector<256x2048xf32>
    %eq3A_231 = arith.cmpf oeq, %select_n3A_226, %eq3A_230 : vector<256x2048xf32>
    %jit3A_232 = arith.constant 2048 : i32
    %broadcast_in_dim3A_233 = vector.broadcast %jit3A_232 : i32 to vector<256x2048xi32>
    %select_n3A_234 = arith.select %eq3A_231, %iota3A, %broadcast_in_dim3A_233 : vector<256x2048xi1>, vector<256x2048xi32>
    %reduce_min3A_235 = arith.constant dense<2147483647> : vector<256xi32>
    %reduce_min3A_236 = vector.multi_reduction <minsi>, %select_n3A_234, %reduce_min3A_235 [1] : vector<256x2048xi32> to vector<256xi32>
    %broadcast_in_dim3A_237 = vector.shape_cast %reduce_min3A_236 : vector<256xi32> to vector<256x1xi32>
    %eq3A_238 = vector.broadcast %broadcast_in_dim3A_237 : vector<256x1xi32> to vector<256x2048xi32>
    %eq3A_239 = arith.cmpi eq, %iota3A, %eq3A_238 : vector<256x2048xi32>
    %jit3A_240 = arith.constant 0xFF800000 : f32
    %broadcast_in_dim3A_241 = vector.broadcast %jit3A_240 : f32 to vector<256x2048xf32>
    %select_n3A_242 = arith.select %eq3A_239, %broadcast_in_dim3A_241, %select_n3A_226 : vector<256x2048xi1>, vector<256x2048xf32>
    %reduce_max3A_243 = arith.constant dense<0xFF800000> : vector<256xf32>
    %reduce_max3A_244 = vector.multi_reduction <maximumf>, %select_n3A_242, %reduce_max3A_243 [1] : vector<256x2048xf32> to vector<256xf32>
    %broadcast_in_dim3A_245 = vector.shape_cast %reduce_max3A_244 : vector<256xf32> to vector<256x1xf32>
    %eq3A_246 = vector.broadcast %broadcast_in_dim3A_245 : vector<256x1xf32> to vector<256x2048xf32>
    %eq3A_247 = arith.cmpf oeq, %select_n3A_242, %eq3A_246 : vector<256x2048xf32>
    %jit3A_248 = arith.constant 2048 : i32
    %broadcast_in_dim3A_249 = vector.broadcast %jit3A_248 : i32 to vector<256x2048xi32>
    %select_n3A_250 = arith.select %eq3A_247, %iota3A, %broadcast_in_dim3A_249 : vector<256x2048xi1>, vector<256x2048xi32>
    %reduce_min3A_251 = arith.constant dense<2147483647> : vector<256xi32>
    %reduce_min3A_252 = vector.multi_reduction <minsi>, %select_n3A_250, %reduce_min3A_251 [1] : vector<256x2048xi32> to vector<256xi32>
    %broadcast_in_dim3A_253 = vector.shape_cast %reduce_min3A_252 : vector<256xi32> to vector<256x1xi32>
    %eq3A_254 = vector.broadcast %broadcast_in_dim3A_253 : vector<256x1xi32> to vector<256x2048xi32>
    %eq3A_255 = arith.cmpi eq, %iota3A, %eq3A_254 : vector<256x2048xi32>
    %jit3A_256 = arith.constant 0xFF800000 : f32
    %broadcast_in_dim3A_257 = vector.broadcast %jit3A_256 : f32 to vector<256x2048xf32>
    %select_n3A_258 = arith.select %eq3A_255, %broadcast_in_dim3A_257, %select_n3A_242 : vector<256x2048xi1>, vector<256x2048xf32>
    %reduce_max3A_259 = arith.constant dense<0xFF800000> : vector<256xf32>
    %reduce_max3A_260 = vector.multi_reduction <maximumf>, %select_n3A_258, %reduce_max3A_259 [1] : vector<256x2048xf32> to vector<256xf32>
    %broadcast_in_dim3A_261 = vector.shape_cast %reduce_max3A_260 : vector<256xf32> to vector<256x1xf32>
    %eq3A_262 = vector.broadcast %broadcast_in_dim3A_261 : vector<256x1xf32> to vector<256x2048xf32>
    %eq3A_263 = arith.cmpf oeq, %select_n3A_258, %eq3A_262 : vector<256x2048xf32>
    %jit3A_264 = arith.constant 2048 : i32
    %broadcast_in_dim3A_265 = vector.broadcast %jit3A_264 : i32 to vector<256x2048xi32>
    %select_n3A_266 = arith.select %eq3A_263, %iota3A, %broadcast_in_dim3A_265 : vector<256x2048xi1>, vector<256x2048xi32>
    %reduce_min3A_267 = arith.constant dense<2147483647> : vector<256xi32>
    %reduce_min3A_268 = vector.multi_reduction <minsi>, %select_n3A_266, %reduce_min3A_267 [1] : vector<256x2048xi32> to vector<256xi32>
    %broadcast_in_dim3A_269 = vector.shape_cast %reduce_min3A_268 : vector<256xi32> to vector<256x1xi32>
    %eq3A_270 = vector.broadcast %broadcast_in_dim3A_269 : vector<256x1xi32> to vector<256x2048xi32>
    %eq3A_271 = arith.cmpi eq, %iota3A, %eq3A_270 : vector<256x2048xi32>
    %jit3A_272 = arith.constant 0xFF800000 : f32
    %broadcast_in_dim3A_273 = vector.broadcast %jit3A_272 : f32 to vector<256x2048xf32>
    %select_n3A_274 = arith.select %eq3A_271, %broadcast_in_dim3A_273, %select_n3A_258 : vector<256x2048xi1>, vector<256x2048xf32>
    %reduce_max3A_275 = arith.constant dense<0xFF800000> : vector<256xf32>
    %reduce_max3A_276 = vector.multi_reduction <maximumf>, %select_n3A_274, %reduce_max3A_275 [1] : vector<256x2048xf32> to vector<256xf32>
    %broadcast_in_dim3A_277 = vector.shape_cast %reduce_max3A_276 : vector<256xf32> to vector<256x1xf32>
    %eq3A_278 = vector.broadcast %broadcast_in_dim3A_277 : vector<256x1xf32> to vector<256x2048xf32>
    %eq3A_279 = arith.cmpf oeq, %select_n3A_274, %eq3A_278 : vector<256x2048xf32>
    %jit3A_280 = arith.constant 2048 : i32
    %broadcast_in_dim3A_281 = vector.broadcast %jit3A_280 : i32 to vector<256x2048xi32>
    %select_n3A_282 = arith.select %eq3A_279, %iota3A, %broadcast_in_dim3A_281 : vector<256x2048xi1>, vector<256x2048xi32>
    %reduce_min3A_283 = arith.constant dense<2147483647> : vector<256xi32>
    %reduce_min3A_284 = vector.multi_reduction <minsi>, %select_n3A_282, %reduce_min3A_283 [1] : vector<256x2048xi32> to vector<256xi32>
    %broadcast_in_dim3A_285 = vector.shape_cast %reduce_min3A_284 : vector<256xi32> to vector<256x1xi32>
    %eq3A_286 = vector.broadcast %broadcast_in_dim3A_285 : vector<256x1xi32> to vector<256x2048xi32>
    %eq3A_287 = arith.cmpi eq, %iota3A, %eq3A_286 : vector<256x2048xi32>
    %jit3A_288 = arith.constant 0xFF800000 : f32
    %broadcast_in_dim3A_289 = vector.broadcast %jit3A_288 : f32 to vector<256x2048xf32>
    %select_n3A_290 = arith.select %eq3A_287, %broadcast_in_dim3A_289, %select_n3A_274 : vector<256x2048xi1>, vector<256x2048xf32>
    %reduce_max3A_291 = arith.constant dense<0xFF800000> : vector<256xf32>
    %reduce_max3A_292 = vector.multi_reduction <maximumf>, %select_n3A_290, %reduce_max3A_291 [1] : vector<256x2048xf32> to vector<256xf32>
    %broadcast_in_dim3A_293 = vector.shape_cast %reduce_max3A_292 : vector<256xf32> to vector<256x1xf32>
    %eq3A_294 = vector.broadcast %broadcast_in_dim3A_293 : vector<256x1xf32> to vector<256x2048xf32>
    %eq3A_295 = arith.cmpf oeq, %select_n3A_290, %eq3A_294 : vector<256x2048xf32>
    %jit3A_296 = arith.constant 2048 : i32
    %broadcast_in_dim3A_297 = vector.broadcast %jit3A_296 : i32 to vector<256x2048xi32>
    %select_n3A_298 = arith.select %eq3A_295, %iota3A, %broadcast_in_dim3A_297 : vector<256x2048xi1>, vector<256x2048xi32>
    %reduce_min3A_299 = arith.constant dense<2147483647> : vector<256xi32>
    %reduce_min3A_300 = vector.multi_reduction <minsi>, %select_n3A_298, %reduce_min3A_299 [1] : vector<256x2048xi32> to vector<256xi32>
    %broadcast_in_dim3A_301 = vector.shape_cast %reduce_min3A_300 : vector<256xi32> to vector<256x1xi32>
    %eq3A_302 = vector.broadcast %broadcast_in_dim3A_301 : vector<256x1xi32> to vector<256x2048xi32>
    %eq3A_303 = arith.cmpi eq, %iota3A, %eq3A_302 : vector<256x2048xi32>
    %jit3A_304 = arith.constant 0xFF800000 : f32
    %broadcast_in_dim3A_305 = vector.broadcast %jit3A_304 : f32 to vector<256x2048xf32>
    %select_n3A_306 = arith.select %eq3A_303, %broadcast_in_dim3A_305, %select_n3A_290 : vector<256x2048xi1>, vector<256x2048xf32>
    %reduce_max3A_307 = arith.constant dense<0xFF800000> : vector<256xf32>
    %reduce_max3A_308 = vector.multi_reduction <maximumf>, %select_n3A_306, %reduce_max3A_307 [1] : vector<256x2048xf32> to vector<256xf32>
    %broadcast_in_dim3A_309 = vector.shape_cast %reduce_max3A_308 : vector<256xf32> to vector<256x1xf32>
    %eq3A_310 = vector.broadcast %broadcast_in_dim3A_309 : vector<256x1xf32> to vector<256x2048xf32>
    %eq3A_311 = arith.cmpf oeq, %select_n3A_306, %eq3A_310 : vector<256x2048xf32>
    %jit3A_312 = arith.constant 2048 : i32
    %broadcast_in_dim3A_313 = vector.broadcast %jit3A_312 : i32 to vector<256x2048xi32>
    %select_n3A_314 = arith.select %eq3A_311, %iota3A, %broadcast_in_dim3A_313 : vector<256x2048xi1>, vector<256x2048xi32>
    %reduce_min3A_315 = arith.constant dense<2147483647> : vector<256xi32>
    %reduce_min3A_316 = vector.multi_reduction <minsi>, %select_n3A_314, %reduce_min3A_315 [1] : vector<256x2048xi32> to vector<256xi32>
    %broadcast_in_dim3A_317 = vector.shape_cast %reduce_min3A_316 : vector<256xi32> to vector<256x1xi32>
    %eq3A_318 = vector.broadcast %broadcast_in_dim3A_317 : vector<256x1xi32> to vector<256x2048xi32>
    %eq3A_319 = arith.cmpi eq, %iota3A, %eq3A_318 : vector<256x2048xi32>
    %jit3A_320 = arith.constant 0xFF800000 : f32
    %broadcast_in_dim3A_321 = vector.broadcast %jit3A_320 : f32 to vector<256x2048xf32>
    %select_n3A_322 = arith.select %eq3A_319, %broadcast_in_dim3A_321, %select_n3A_306 : vector<256x2048xi1>, vector<256x2048xf32>
    %reduce_max3A_323 = arith.constant dense<0xFF800000> : vector<256xf32>
    %reduce_max3A_324 = vector.multi_reduction <maximumf>, %select_n3A_322, %reduce_max3A_323 [1] : vector<256x2048xf32> to vector<256xf32>
    %broadcast_in_dim3A_325 = vector.shape_cast %reduce_max3A_324 : vector<256xf32> to vector<256x1xf32>
    %eq3A_326 = vector.broadcast %broadcast_in_dim3A_325 : vector<256x1xf32> to vector<256x2048xf32>
    %eq3A_327 = arith.cmpf oeq, %select_n3A_322, %eq3A_326 : vector<256x2048xf32>
    %jit3A_328 = arith.constant 2048 : i32
    %broadcast_in_dim3A_329 = vector.broadcast %jit3A_328 : i32 to vector<256x2048xi32>
    %select_n3A_330 = arith.select %eq3A_327, %iota3A, %broadcast_in_dim3A_329 : vector<256x2048xi1>, vector<256x2048xi32>
    %reduce_min3A_331 = arith.constant dense<2147483647> : vector<256xi32>
    %reduce_min3A_332 = vector.multi_reduction <minsi>, %select_n3A_330, %reduce_min3A_331 [1] : vector<256x2048xi32> to vector<256xi32>
    %broadcast_in_dim3A_333 = vector.shape_cast %reduce_min3A_332 : vector<256xi32> to vector<256x1xi32>
    %concatenate3A = tpu.concatenate %broadcast_in_dim3A_29, %broadcast_in_dim3A_45, %broadcast_in_dim3A_61, %broadcast_in_dim3A_77, %broadcast_in_dim3A_93, %broadcast_in_dim3A_109, %broadcast_in_dim3A_125, %broadcast_in_dim3A_141, %broadcast_in_dim3A_157, %broadcast_in_dim3A_173, %broadcast_in_dim3A_189, %broadcast_in_dim3A_205, %broadcast_in_dim3A_221, %broadcast_in_dim3A_237, %broadcast_in_dim3A_253, %broadcast_in_dim3A_269, %broadcast_in_dim3A_285, %broadcast_in_dim3A_301, %broadcast_in_dim3A_317, %broadcast_in_dim3A_333 in 1 : vector<256x1xi32>, vector<256x1xi32>, vector<256x1xi32>, vector<256x1xi32>, vector<256x1xi32>, vector<256x1xi32>, vector<256x1xi32>, vector<256x1xi32>, vector<256x1xi32>, vector<256x1xi32>, vector<256x1xi32>, vector<256x1xi32>, vector<256x1xi32>, vector<256x1xi32>, vector<256x1xi32>, vector<256x1xi32>, vector<256x1xi32>, vector<256x1xi32>, vector<256x1xi32>, vector<256x1xi32> -> vector<256x20xi32>
    %swap3A = arith.constant 0 : index
    %swap3A_334 = arith.constant 0 : index
    %swap3A_335 = arith.constant 0 : index
    %swap3A_336 = vector.load %arg4[%swap3A, %swap3A_334, %swap3A_335] : memref<1x256x128xi32, #tpu.memory_space<vmem>>, vector<1x256x20xi32>
    %swap3A_337 = vector.shape_cast %swap3A_336 : vector<1x256x20xi32> to vector<256x20xi32>
    %swap3A_338 = vector.shape_cast %concatenate3A : vector<256x20xi32> to vector<1x256x20xi32>
    tpu.vector_store %arg4[%swap3A, %swap3A_334, %swap3A_335], %swap3A_338 {strides = array<i32>} : memref<1x256x128xi32, #tpu.memory_space<vmem>>, vector<1x256x20xi32>,
    return
  }
  func.func @transform_0(%arg0: i32, %arg1: i32) -> (i32, i32, i32) {
    %c0_i32 = arith.constant 0 : i32
    %c0_i32_0 = arith.constant 0 : i32
    return %arg0, %c0_i32, %arg1 : i32, i32, i32
  }
  func.func @transform_1(%arg0: i32, %arg1: i32) -> (i32, i32, i32) {
    %c0_i32 = arith.constant 0 : i32
    %c0_i32_0 = arith.constant 0 : i32
    %c0_i32_1 = arith.constant 0 : i32
    return %arg0, %c0_i32, %c0_i32_0 : i32, i32, i32
  }
  func.func @transform_2(%arg0: i32, %arg1: i32) -> (i32, i32, i32) {
    %c0_i32 = arith.constant 0 : i32
    %c0_i32_0 = arith.constant 0 : i32
    return %arg0, %arg1, %c0_i32 : i32, i32, i32
  }
}

</mosaic_0001>

<sc_bundles>
// kernel: kernel.5.cloned.1.call-start
scs
__scs_entry_jumppad:
0x0: {  	(pc) =	sbr.rel $0x88, $3  }
0x1: {  	(tag) =	ssettag $0x0;
	lr =	simm.s32 $0x1  }
0x2: {  	[smem:$0x3F9E] =	sst lr;
	_ =	strace $0xD0000000  }
0x3: {  	_ = 	snop  }
0x4: {  	_ = 	snop  }
0x5: {  	_ = 	snop  }
0x6: {  	_ = 	snop  }
0x7: {  	_ = 	snop  }
__scs_overlays_trampoline_lowered:
0x8: {  	[smem:$0x3FAD] =	sst s0  }
0x9: {  	[smem:$0x3FAE] =	sst s1  }
0xa: {  	[smem:$0x3FAF] =	sst s2  }
0xb: {  	[smem:$0x3FB0] =	sst s3  }
0xc: {  	[smem:$0x3FB1] =	sst s4  }
0xd: {  	[smem:$0x3FB2] =	sst s5  }
0xe: {  	[smem:$0x3FB3] =	sst s6  }
0xf: {  	[smem:$0x3FB4] =	sst s7  }
0x10: {  	[smem:$0x3FB5] =	sst s8  }
0x11: {  	[smem:$0x3FB6] =	sst s9;
	s0 =	simm.s32 @!p0 $0x0  }
0x12: {  	s1 =	sld [smem:$0x3F9C];
	s0 =	simm.s32 @p0 $0x1  }
0x13: {  	[smem:$0x3FB7] =	sst s0;
	s0 =	simm.s32 @!p1 $0x0  }
0x14: {  	s2 =	sld [smem:$0x3F9B];
	s0 =	simm.s32 @p1 $0x1  }
0x15: {  	[smem:$0x3FB8] =	sst s0;
	s0 =	simm.s32 @!p2 $0x0  }
0x16: {  	s3 =	sld [smem:$0x3FDB];
	s0 =	simm.s32 @p2 $0x1  }
0x17: {  	s4 =	simm.s32 $0x1BF5;
	[smem:$0x3FBA] =	sst s0  }
0x18: {  	s0 =	sld [smem:$0x3F9D];
	_ =	swait.ge [sflag:s4], $0x0  }
0x19: {  	s7 =	sld [smem:$0x3F9E]  }
0x1a: {  	s8 =	sadd.s32 $0xFFFFE003, lr  }
0x1b: {  	s9 =	sadd.s32 $0xFFFFFEF7, lr;
	s5 =	simm.s32 $0xFFFFFFFF;
	p2 =	slt.u32 s8, $0xFFFFF086  }
0x1c: {  	p1 =	slt.u32 s9, $0xF7A;
	s5 =	simm.s32 @!p2 $0x0  }
0x1d: {  	s5 =	simm.s32 @p1 $0x1;
	p0 =	seq.s32 s7, s2  }
0x1e: {  	s7 =	smul.u32 @!p0 $0xF7A, s2;
	p2 =	seq.s32 @!p0 s5, $0x0  }
0x1f: {  	s9 =	smul.u32 $0xF7A, s1;
	s8 =	simm.s32 @!p0 $0x1BF5;
	p2 =	por !p2, p0  }
0x20: {  	[sflag:s8] =	ssyncset.s32 @!p0 $0xFFFFF086;
	s6 =	sadd.s32 @!p0 s3, s7;
	s7 =	simm.s32 @!p0 $0x108  }
0x21: {  	s3 =	sadd.s32 s3, s9;
	s6 =	sadd.s32 @!p0 $0x88, s6;
	s7 =	simm.s32 @p2 $0x1082  }
0x22: {  	[simem:s7], [sflag:s8] =	dma.local @!p0 [hbm:s6], $0xF7A  }
0x23: {  	s9 =	sor.u32 $0xD0000000, s2;
	s6 =	simm.s32 $0x108;
	_ =	swait.ge @!p0 [sflag:s8], $0x0  }
0x24: {  	s3 =	sadd.s32 $0x88, s3;
	s6 =	simm.s32 @!p1 $0x1082;
	[sflag:s4] =	ssyncset.s32 $0xFFFFF086  }
0x25: {  	[simem:s6], [sflag:s4] =	dma.local [hbm:s3], $0xF7A  }
0x26: {  	[smem:$0x3F9E] =	sst s1;
	(tag) =	ssettag s2;
	_ =	strace s9  }
0x27: {  	s1 =	sld [smem:$0x3FAE]  }
0x28: {  	s2 =	sld [smem:$0x3FAF]  }
0x29: {  	s4 =	sld [smem:$0x3FB1]  }
0x2a: {  	p0 =	seq.s32 s5, $0x0;
	s5 =	sld [smem:$0x3FB2]  }
0x2b: {  	s6 =	sld [smem:$0x3FB3]  }
0x2c: {  	s7 =	sld [smem:$0x3FB4]  }
0x2d: {  	s3 =	simm.s32 $0x108;
	s8 =	sld [smem:$0x3FB5]  }
0x2e: {  	s3 =	simm.s32 @!p0 $0x1082;
	s9 =	sld [smem:$0x3FB6]  }
0x2f: {  	lr =	sadd.s32 s0, s3;
	s0 =	sld [smem:$0x3FAD]  }
0x30: {  	s3 =	sld [smem:$0x3FB0]  }
0x31: {  	[smem:$0x3FB9] =	sst s10  }
0x32: {  	s10 =	sld [smem:$0x3FB7];
	_ =	sdelay $0x3  }
0x33: {  	p0 =	seq.s32 s10, $0x1;
	s10 =	sld [smem:$0x3FB9];
	_ =	sdelay $0x3  }
0x34: {  	[smem:$0x3FB9] =	sst s10  }
0x35: {  	s10 =	sld [smem:$0x3FB8];
	_ =	sdelay $0x3  }
0x36: {  	p1 =	seq.s32 s10, $0x1;
	s10 =	sld [smem:$0x3FB9];
	_ =	sdelay $0x3  }
0x37: {  	[smem:$0x3FB9] =	sst s10  }
0x38: {  	s10 =	sld [smem:$0x3FBA]  }
0x39: {  	_ = 	snop;
	(pc) =	sbr.ind lr, $3  }
0x3a: {  	_ = 	snop  }
0x3b: {  	_ = 	snop  }
0x3c: {  	p2 =	seq.s32 s10, $0x1;
	s10 =	sld [smem:$0x3FB9]  }
0x3d: {  	_ =	shalt  }
0x3e: {  	_ =	shalt  }
0x3f: {  	_ =	shalt  }
0x40: {  	_ =	shalt  }
0x41: {  	_ =	shalt  }
0x42: {  	_ =	shalt  }
0x43: {  	_ =	shalt  }
0x44: {  	_ =	shalt  }
0x45: {  	_ =	shalt  }
0x46: {  	_ =	shalt  }
0x47: {  	_ =	shalt  }
0x48: {  	_ =	shalt  }
0x49: {  	_ =	shalt  }
0x4a: {  	_ =	shalt  }
0x4b: {  	_ =	shalt  }
0x4c: {  	_ =	shalt  }
0x4d: {  	_ =	shalt  }
0x4e: {  	_ =	shalt  }
0x4f: {  	_ =	shalt  }
0x50: {  	_ =	shalt  }
0x51: {  	_ =	shalt  }
0x52: {  	_ =	shalt  }
0x53: {  	_ =	shalt  }
0x54: {  	_ =	shalt  }
0x55: {  	_ =	shalt  }
0x56: {  	_ =	shalt  }
0x57: {  	_ =	shalt  }
0x58: {  	_ =	shalt  }
0x59: {  	_ =	shalt  }
0x5a: {  	_ =	shalt  }
0x5b: {  	_ =	shalt  }
0x5c: {  	_ =	shalt  }
0x5d: {  	_ =	shalt  }
0x5e: {  	_ =	shalt  }
0x5f: {  	_ =	shalt  }
0x60: {  	_ =	shalt  }
0x61: {  	_ =	shalt  }
0x62: {  	_ =	shalt  }
0x63: {  	_ =	shalt  }
0x64: {  	_ =	shalt  }
0x65: {  	_ =	shalt  }
0x66: {  	_ =	shalt  }
0x67: {  	_ =	shalt  }
0x68: {  	_ =	shalt  }
0x69: {  	_ =	shalt  }
0x6a: {  	_ =	shalt  }
0x6b: {  	_ =	shalt  }
0x6c: {  	_ =	shalt  }
0x6d: {  	_ =	shalt  }
0x6e: {  	_ =	shalt  }
0x6f: {  	_ =	shalt  }
0x70: {  	_ =	shalt  }
0x71: {  	_ =	shalt  }
0x72: {  	_ =	shalt  }
0x73: {  	_ =	shalt  }
0x74: {  	_ =	shalt  }
0x75: {  	_ =	shalt  }
0x76: {  	_ =	shalt  }
0x77: {  	_ =	shalt  }
0x78: {  	_ =	shalt  }
0x79: {  	_ =	shalt  }
0x7a: {  	_ =	shalt  }
0x7b: {  	_ =	shalt  }
0x7c: {  	_ =	shalt  }
0x7d: {  	_ =	shalt  }
0x7e: {  	_ =	shalt  }
0x7f: {  	_ =	shalt  }
0x80: {  	_ =	shalt  }
0x81: {  	_ =	shalt  }
0x82: {  	_ =	shalt  }
0x83: {  	_ =	shalt  }
0x84: {  	_ =	shalt  }
0x85: {  	_ =	shalt  }
0x86: {  	_ =	shalt  }
0x87: {  	_ =	shalt  }
.Lfunc_end0:
.L_simem_size_0:
called_computation_lowered:
.L_overlay_start_0:
0x88: {  	s2 =	sld [smem:$0x3FD9]  }
0x89: {  	s3 =	sld [smem:$0x3FFE];
	_ =	sdelay $0x1  }
0x8a: {  	s1 =	srdreg.scid  }
0x8b: {  	s0 =	sand.u32 $0x1, s1  }
0x8c: {  	s17 =	sshll.u32 s0, $0xA;
	s2 =	sadd.s32 s3, s2  }
0x8d: {  	s2 =	sadd.s32 s2, s17  }
0x8e: {  	[smem:$0x3FC5] =	sst s2  }
0x8f: {  	_ = 	snop  }
0x90: {  	s2 =	sld [smem:$0x3FC9]  }
0x91: {  	s18 =	sld [smem:$0x3FD0];
	(tm) =	ssettm $0x1  }
0x92: {  	s4 =	sld [smem:$0x3FFB];
	_ =	sdelay $0x3  }
0x93: {  	_ =	strace s4  }
0x94: {  	s4 =	sld [smem:$0x3FFC];
	_ =	sdelay $0x3  }
0x95: {  	_ =	strace s4  }
0x96: {  	s4 =	sld [smem:$0x3FFD];
	_ =	sdelay $0x3  }
0x97: {  	_ =	strace s4  }
0x98: {  	_ =	strace $0x8FFFFFFF  }
0x99: {  	s19 =	sld [smem:$0x3FDB];
	_ =	sdelay $0x1  }
0x9a: {  	s5 =	simm.s32 $_scs_section_size  }
0x9b: {  	s6 =	simm.s32 $_size__tile_overlayer_lowered;
	s7 =	simm.s32 $_tile_overlayer_lowered  }
0x9c: {  	s22 =	simm.s32 $0x1BFF;
	s21 =	sshll.u32 s7, $0x1;
	s4 =	sadd.s32 s5, s19  }
0x9d: {  	s8 =	simm.s32 $0x0;
	s20 =	sshll.u32 s6, $0x1;
	s6 =	sadd.s32 s21, s4  }
0x9e: {  	[timem:s8], [sflag:s22] =	dma.local [hbm:s6], s20  }
0x9f: {  	_ =	swait.ge [sflag:s22], s20  }
0xa0: {  	s5 =	ssub.s32 $0x0, s20;
	[sflag:s22] =	ssyncset.done $0x0  }
0xa1: {  	[sflag:s22] =	ssyncadd.s32 s5;
	_ =	sdelay $0x1  }
0xa2: {  	s23 =	simm.s32 $0x1B8B  }
0xa3: {  	_ =	swait.ge [sflag:s23], $0x1  }
0xa4: {  	[sflag:s23] =	ssyncset.done $0x0  }
0xa5: {  	s25 =	simm.s32 $0x1B8E;
	s24 =	sld [smem:$0x3FFE];
	[sflag:s23] =	ssyncadd.s32 $0xFFFFFFFF  }
0xa6: {  	s26 =	simm.s32 $execute0_lowered;
	[smem:$0x3FD2] =	sst s25  }
0xa7: {  	s6 =	sshll.u32 s26, $0x1;
	_ =	strace $0x80000046;
	[dreg:$0x1] =	wrdreg $0xFFFFFFFF  }
0xa8: {  	s28 =	simm.s32 $_size_execute0_lowered;
	s4 =	sadd.s32 s4, s6;
	[dreg:$0x0] =	wrdreg $0x0  }
0xa9: {  	s6 =	sshll.u32 s28, $0x1;
	[dreg:$0x2] =	wrdreg s4  }
0xaa: {  	[dreg:$0x3] =	wrdreg s6  }
0xab: {  	[dreg:$0x4] =	wrdreg $0xC0  }
0xac: {  	_ =	task [dreg:s8], $0x5FFFF  }
0xad: {  	[dreg:$0x1] =	wrdreg $0xFFFFFFFF  }
0xae: {  	[dreg:$0x0] =	wrdreg $0x60  }
0xaf: {  	[dreg:$0x2] =	wrdreg s2  }
0xb0: {  	[dreg:$0x3] =	wrdreg s18  }
0xb1: {  	[dreg:$0x4] =	wrdreg s24  }
0xb2: {  	[dreg:$0x5] =	wrdreg $0x9  }
0xb3: {  	_ =	task.clear_ibuf [dreg:s8], $0x6FFFF;
	_ =	strace $0x90000046  }
0xb4: {  	s29 =	simm.s32 $0x9;
	_ =	strace $0x80000048  }
0xb5: {  	_ =	swait.ge [sflag:s29], $0x1  }
0xb6: {  	[sflag:s29] =	ssyncadd.s32 $0xFFFFFFFF  }
0xb7: {  	_ =	strace $0x90000048  }
0xb8: {  	_ =	sfence  }
0xb9: {  	s30 =	sld [smem:$0x0];
	_ =	sdelay $0x2  }
0xba: {  	s31 =	sshll.u32 s1, $0xD;
	s1 =	sshrl.u32 s1, $0x2  }
0xbb: {  	s3 =	sand.u32 $0x4000, s31;
	s1 =	sadd.s32 s1, s30  }
0xbc: {  	s0 =	sor.u32 s3, s0;
	s1 =	sshll.u32 s1, $0x11  }
0xbd: {  	s0 =	sor.u32 s1, s0  }
0xbe: {  	s0 =	sadd.s32 $0x8F2B, s0  }
0xbf: {  	[sflag:s0] =	ssyncadd.remote.s32 $0x1  }
0xc0: {  	_ =	sfence.sel $0xFFFF  }
0xc1: {  	[dreg:$0x0] =	wrdreg $0xFFFFFFFF;
	(pc) =	sbr.abs _section_cstart, $3  }
0xc2: {  	[dreg:$0x1] =	wrdreg $0xFFFFFFFF  }
0xc3: {  	_ =	task.clear_ibuf [dreg:s8], $0x2FFFF;
	_ =	strace $0x9FFFFFFF  }
0xc4: {  	(tm) =	ssettm $0x7FFFFFFF  }
0xc5: {  	_ =	shalt  }
tec
execute0_lowered:
.L_overlay_start_1:
0x0: {  	(tag) =	ssettag $0x1  }
0x1: {  	s1 =	rddreg [dreg:$0x0]  }
0x2: {  	s0 =	rddreg [dreg:$0x1]  }
0x3: {  	s2 =	rddreg [dreg:$0x2];
	s15 =	simm.s32 $0x0;
	s3 =	srdreg.scid  }
0x4: {  	s7 =	stileid.u32;
	s16 =	simm.s32 $0x80;
	s17 =	simm.s32 $0x400  }
0x5: {  	s18 =	simm.s32 $0x12800;
	s19 =	simm.s32 $0x13000;
	s14 =	simm.s32 $0x2  }
0x6: {  	s29 =	simm.s32 $0x18C00;
	s30 =	simm.s32 $0x19000;
	s31 =	simm.s32 $0x19400  }
0x7: {  	[smem:$0x7FF] =	sst s15;
	s3 =	sand.u32 $0x1, s3;
	s4 =	sshll.u32 s7, $0x1  }
0x8: {  	s22 =	sshrl.u32 s7, $0x1;
	_ =	strace $0x80000047;
	s5 =	sor.u32 s3, s4  }
0x9: {  	s4 =	sadd.s32 $0x1200, s2;
	s3 =	ssub.s32 $0x2, s3;
	s8 =	sshll.u32 s22, $0xE  }
0xa: {  	s9 =	sshll.u32 s22, $0xF;
	s6 =	sshll.u32 s5, $0x4;
	s21 =	sshrl.u32 s3, $0x1  }
0xb: {  	s5 =	sshll.u32 s5, $0x9;
	s10 =	sadd.s32 s1, s8;
	s0 =	sadd.s32 s0, s9  }
0xc: {  	s2 =	sadd.s32 s6, s2;
	s3 =	ssub.s32 s3, s21;
	s23 =	sand.u32 $0x600, s5  }
0xd: {  	s5 =	sshll.u32 s22, $0x11;
	[dreg:$0x4] =	wrdreg s10;
	s25 =	sadd.s32 $0x10, s10  }
0xe: {  	s10 =	smul.u32 $0x280000, s22;
	s21 =	simm.s32 $0x1;
	s22 =	simm.s32 $0x20000  }
.Ltmp0:
0xf: {  	s24 =	sshll.u32 s23, $0x4;
	[dreg:$0x5] =	wrdreg s25;
	(pc) =	sbr.rel .LBB2_1-.Ltmp0, $4  }
0x10: {  	s9 =	sor.u32 $0x12800, s23;
	s11 =	sshll.u32 s23, $0x3;
	s26 =	sadd.s32 $0x1000, s2  }
0x11: {  	s12 =	sadd.s32 s4, s23;
	s28 =	smax.u32 s3, $0x1;
	[dreg:$0x7] =	wrdreg s26  }
0x12: {  	v0 =	vlaneseq.u32;
	s13 =	sor.u32 $0x13000, s23;
	s0 =	sadd.s32 s24, s0;
	[dreg:$0x8] =	wrdreg s28  }
0x13: {  	v0 =	vmul.u32 $0x80, v0;
	s3 =	simm.s32 $0x5;
	s2 =	simm.s32 $0x0;
	[dreg:$0x6] =	wrdreg s0  }
.LBB2_12:
0x14: {  	s0 =	simm.s32 $0x3  }
0x15: {  	_ =	swait.ge [sflag:s0], $0x2800  }
0x16: {  	[sflag:s0] =	ssyncset.done $0x0  }
0x17: {  	s24 =	simm.s32 $0x4;
	[sflag:s0] =	ssyncadd.s32 $0xFFFFD800  }
0x18: {  	_ =	swait.ge [sflag:s24], $0x2800  }
0x19: {  	[sflag:s24] =	ssyncset.done $0x0  }
0x1a: {  	[sflag:s24] =	ssyncadd.s32 $0xFFFFD800  }
0x1b: {  	_ =	swait.ge [sflag:s21], $0x800  }
0x1c: {  	[sflag:s21] =	ssyncset.done $0x0  }
0x1d: {  	[sflag:s21] =	ssyncadd.s32 $0xFFFFF800  }
0x1e: {  	_ =	swait.ge [sflag:s14], $0x800  }
0x1f: {  	[sflag:s14] =	ssyncset.done $0x0  }
0x20: {  	[sflag:s14] =	ssyncadd.s32 $0xFFFFF800  }
0x21: {  	s15 =	simm.s32 $0x0;
	[tilespmem:$0x19800] =	vst v2  }
0x22: {  	s2 =	simm.s32 $0x19800;
	s3 =	simm.s32 $0x5;
	s25 =	rddreg [dreg:$0x7];
	[tilespmem:$0x19810] =	vst v1  }
0x23: {  	[hbm4b:s25+s15] =	stream.linear.scatter [tilespmem:s2], [sflag:$0x5], $0x80, $0x38;
	[tilespmem:$0x19880] =	vst v63  }
0x24: {  	_ =	swait.ge [sflag:s3], $0x80  }
0x25: {  	s26 =	rddreg [dreg:$0x9]  }
0x26: {  	s28 =	rddreg [dreg:$0x8];
	s2 =	sadd.s32 $0x1, s26  }
0x27: {  	p0 =	sne.s32 s2, s28  }
.Ltmp1:
0x28: {  	_ = 	snop;
	(pc) =	sbr.rel @!p0 .LBB2_13-.Ltmp1, $3  }
0x29: {  	_ =	sdelay $0x1  }
0x2a: {  	[sflag:s3] =	ssyncset.done $0x0  }
0x2b: {  	[sflag:s3] =	ssyncadd.s32 $0xFFFFFF80  }
.LBB2_1:
0x2c: {  	[dreg:$0x9] =	wrdreg s2;
	s7 =	simm.s32 $0x0  }
0x2d: {  	s0 =	rddreg [dreg:$0x4];
	s8 =	sand.u32 $0x1F0, s15;
	v1 =	vmov s7  }
0x2e: {  	[tilespmem:s18], [sflag:$0x1] =	stream.strided.gather [hbm4b:s0+s16], $0x800, s17, s16, $0x38;
	v2 =	vmov s8;
	v1 =	vand.u32 $0x7F, v1;
	[tilespmem:$0x19880] =	vst v63  }
0x2f: {  	s20 =	rddreg [dreg:$0x5];
	v2 =	vshll.u32 v2, $0x7;
	v1 =	vbroadcast v1, $0x0  }
0x30: {  	[tilespmem:s19], [sflag:$0x2] =	stream.strided.gather [hbm4b:s20+s16], $0x800, s17, s16, $0x38;
	v2 =	vor.u32 v0, v2;
	[tilespmem:$0x19880] =	vst v63  }
0x31: {  	s23 =	rddreg [dreg:$0x6];
	s24 =	simm.s32 $0x0;
	s25 =	simm.s32 $0x10;
	v1 =	vor.u32 v1, v2  }
0x32: {  	[tilespmem:s15], [sflag:$0x5] =	stream.linear.gather [hbm4b:s23+s15], $0x10000, $0x38;
	[tilespmem:$0x19880] =	vst v63  }
0x33: {  	s2 =	sand.u32 $0x1F0, s25;
	v2 =	vmov s24;
	_ =	swait.ge [sflag:s3], $0x10000  }
0x34: {  	v3 =	vmov s2;
	v2 =	vand.u32 $0x7F, v2;
	[sflag:s3] =	ssyncset.done $0x0  }
0x35: {  	v3 =	vshll.u32 v3, $0x7;
	v2 =	vbroadcast v2, $0x0;
	[sflag:s3] =	ssyncadd.s32 $0xFFFF0000  }
0x36: {  	v3 =	vor.u32 v0, v3;
	v1 =	vld.idx.msk [tilespmem:v1+s15+$0x0], $0xffff  }
0x37: {  	v2 =	vor.u32 v2, v3  }
0x38: {  	s26 =	simm.s32 $0x0;
	s28 =	simm.s32 $0x20  }
0x39: {  	s2 =	sand.u32 $0x1F0, s28;
	v3 =	vmov s26  }
0x3a: {  	v4 =	vmov s2;
	s2 =	simm.s32 $0x10000;
	v3 =	vand.u32 $0x7F, v3  }
0x3b: {  	v4 =	vshll.u32 v4, $0x7;
	v3 =	vbroadcast v3, $0x0;
	[tilespmem:s2+$0x0] =	vst v1  }
0x3c: {  	v1 =	vor.u32 v0, v4;
	v2 =	vld.idx.msk [tilespmem:v2+s15+$0x0], $0xffff  }
0x3d: {  	v1 =	vor.u32 v3, v1;
	_ =	sdelay $0x1  }
0x3e: {  	s6 =	simm.s32 $0x4;
	s7 =	simm.s32 $0x0;
	s3 =	simm.s32 $0x30  }
.LBB2_2:
0x3f: {  	p0 =	sne.s32 s6, $0x27F;
	s0 =	sand.u32 $0x1F0, s3;
	v3 =	vmov s7;
	s2 =	sadd.s32 $0x10, s2  }
0x40: {  	v4 =	vmov s0;
	v3 =	vand.u32 $0x7F, v3;
	s0 =	simm.s32 $0x0;
	[tilespmem:s2+$0x0] =	vst v2  }
.Ltmp2:
0x41: {  	v4 =	vshll.u32 v4, $0x7;
	v3 =	vbroadcast v3, $0x0;
	v2 =	vld.idx.msk [tilespmem:v1+s0+$0x0], $0xffff;
	(pc) =	sbr.rel @p0 .LBB2_2-.Ltmp2, $3  }
0x42: {  	v1 =	vor.u32 v0, v4  }
0x43: {  	v1 =	vor.u32 v3, v1;
	_ =	sdelay $0x1  }
0x44: {  	s7 =	sshrl.u32 s6, $0x5;
	s6 =	sadd.s32 $0x1, s6;
	s3 =	sadd.s32 $0x10, s3  }
0x45: {  	_ = 	snop  }
0x46: {  	s3 =	sand.u32 $0x1F0, s3;
	v3 =	vmov s7  }
0x47: {  	s2 =	sadd.s32 $0x10, s2;
	v4 =	vmov s3;
	v3 =	vand.u32 $0x7F, v3  }
0x48: {  	[tilespmem:s2+$0x0] =	vst v2;
	v2 =	vshll.u32 v4, $0x7;
	v3 =	vbroadcast v3, $0x0  }
0x49: {  	v1 =	vld.idx.msk [tilespmem:v1+s0+$0x0], $0xffff;
	v2 =	vor.u32 v0, v2  }
0x4a: {  	v2 =	vor.u32 v3, v2;
	_ =	sdelay $0x2  }
0x4b: {  	s2 =	sadd.s32 $0x10, s2  }
0x4c: {  	[tilespmem:s2+$0x0] =	vst v1  }
0x4d: {  	v1 =	vld.idx.msk [tilespmem:v2+s0+$0x0], $0xffff;
	_ =	sdelay $0x3  }
0x4e: {  	s2 =	sadd.s32 $0x10, s2  }
0x4f: {  	v2 =	vimm.f32 $0.0e+00;
	[tilespmem:s2+$0x0] =	vst v1;
	v1 =	vimm.f32 $0.0e+00;
	s2 =	simm.s32 $0x0  }
.LBB2_4:
0x50: {  	_ =	swait.ge [sflag:s21], $0x800;
	p0 =	seq.s32 s2, $0x0  }
0x51: {  	s8 =	sshll.u32 s2, $0x1;
	s7 =	simm.s32 $0x10010;
	p2 =	por $0x1, $0x1  }
.Ltmp3:
0x52: {  	p1 =	por $0x0, $0x0;
	[sflag:s21] =	ssyncset.done $0x0;
	(pc) =	sbr.rel @!p2 .LBB2_9-.Ltmp3, $4  }
0x53: {  	s20 =	simm.s32 $0x10010;
	s3 =	simm.s32 @!p0 $0x3;
	[sflag:s21] =	ssyncadd.s32 $0xFFFFF800  }
0x54: {  	s23 =	simm.s32 $0x0;
	s6 =	smin.u32 s8, $0x3D;
	_ =	swait.ge @!p0 [sflag:s3], $0x2800  }
0x55: {  	s24 =	simm.s32 $0x0;
	s15 =	sadd.s32 $0x2, s6;
	[sflag:s3] =	ssyncset.done @!p0 $0x0  }
0x56: {  	v4 =	vmov v2;
	v3 =	vmov v1;
	s6 =	simm.s32 $0x0;
	[sflag:s3] =	ssyncadd.s32 @!p0 $0xFFFFD800;
	s3 =	simm.s32 $0x8  }
0x57: {  	v3 =	vld [tilespmem:s7+$0xFFFFFFF0]  }
0x58: {  	v4 =	vld [tilespmem:s7+$0x0];
	_ =	sdelay $0x1  }
0x59: {  	s6 =	sand.u32 $0x180, s0  }
0x5a: {  	s20 =	sand.u32 $0x60, s0;
	s6 =	sadd.s32 s6, s9  }
0x5b: {  	s6 =	sadd.s32 s20, s6  }
0x5c: {  	v5 =	vld [tilespmem:s6+$0x0]  }
0x5d: {  	v7 =	vld [tilespmem:s6+$0x10]  }
0x5e: {  	v3 =	vld.idx.msk [tilespmem:v3+s18+$0x0], $0xffff  }
0x5f: {  	p2 =	por $0x1, $0x1;
	v4 =	vld.idx.msk [tilespmem:v4+s18+$0x0], $0xffff  }
.Ltmp4:
0x60: {  	_ = 	snop;
	(pc) =	sbr.rel @!p2 .LBB2_6-.Ltmp4, $4  }
0x61: {  	s26 =	sand.u32 $0xC00, s0;
	s23 =	sand.u32 $0x3000, s0  }
0x62: {  	s28 =	sand.u32 $0x380, s0;
	s24 =	simm.s32 $0x10;
	s6 =	sor.u32 s20, s26  }
0x63: {  	p1 =	por $0x1, $0x1;
	s20 =	simm.s32 $0x10010;
	s6 =	sor.u32 s23, s6;
	v6 =	vsub.f32 v3, v5  }
0x64: {  	s23 =	simm.s32 $0x0;
	s25 =	sor.u32 s28, s6;
	s6 =	simm.s32 $0x0;
	v5 =	vsub.f32 v4, v7;
	v4 =	vmov v2;
	v3 =	vmov v1  }
.LBB2_7:
0x65: {  	p2 =	sne.s32 s24, $0x9F8;
	[tilespmem:s25+$0x13800] =	vst v6;
	s25 =	sadd.s32 $0x13800, s25;
	v4 =	vadd.f32 v6, v4;
	v6 =	vmul.f32 v6, v6  }
0x66: {  	s20 =	sadd.s32 $0x20, s20;
	[tilespmem:s25+$0x10] =	vst v5;
	v7 =	vmul.f32 v5, v5  }
0x67: {  	v8 =	vld [tilespmem:s20+$0xFFFFFFF0];
	v4 =	vadd.f32 v5, v4;
	v3 =	vadd.f32 v6, v3  }
0x68: {  	v5 =	vld [tilespmem:s20+$0x0]  }
0x69: {  	v3 =	vadd.f32 v7, v3  }
0x6a: {  	s23 =	sadd.s32 $0x20, s23  }
0x6b: {  	s25 =	sand.u32 $0x180, s23  }
0x6c: {  	s26 =	sand.u32 $0x60, s23;
	s25 =	sadd.s32 s25, s9  }
0x6d: {  	s25 =	sadd.s32 s26, s25  }
0x6e: {  	v6 =	vld [tilespmem:s25+$0x0]  }
0x6f: {  	v7 =	vld.idx.msk [tilespmem:v8+s18+$0x0], $0xffff  }
0x70: {  	v5 =	vld.idx.msk [tilespmem:v5+s18+$0x0], $0xffff  }
0x71: {  	v8 =	vld [tilespmem:s25+$0x10]  }
.Ltmp5:
0x72: {  	s6 =	sadd.s32 $0x100, s6;
	(pc) =	sbr.rel @p2 .LBB2_7-.Ltmp5, $4  }
0x73: {  	s25 =	sand.u32 $0xC00, s6  }
0x74: {  	s28 =	sand.u32 $0x3000, s23;
	s25 =	sor.u32 s26, s25  }
0x75: {  	s26 =	sand.u32 $0x380, s3;
	s3 =	smov.u32 s24;
	s25 =	sor.u32 s28, s25;
	v6 =	vsub.f32 v7, v6  }
0x76: {  	s24 =	sadd.s32 $0x8, s24;
	s25 =	sor.u32 s26, s25;
	v5 =	vsub.f32 v5, v8  }
0x77: {  	s24 =	smov.u32 s3  }
.LBB2_9:
0x78: {  	[tilespmem:s25+$0x13800] =	vst @p1 v6;
	s3 =	sadd.s32 @p1 $0x13800, s25;
	s20 =	sadd.s32 @p1 $0x20, s20;
	s25 =	simm.s32 $0x10010  }
0x79: {  	[tilespmem:s3+$0x10] =	vst @p1 v5;
	s25 =	smov.u32 @p1 s20  }
0x7a: {  	v7 =	vld [tilespmem:s25+$0xFFFFFFF0]  }
0x7b: {  	s3 =	sadd.s32 @p1 $0x20, s23;
	s20 =	simm.s32 $0x0;
	v8 =	vld [tilespmem:s25+$0x0]  }
0x7c: {  	s20 =	smov.u32 @p1 s3  }
0x7d: {  	s3 =	sand.u32 $0x180, s20  }
0x7e: {  	s28 =	sand.u32 $0x60, s20;
	s3 =	sadd.s32 s3, s9  }
0x7f: {  	s3 =	sadd.s32 s28, s3  }
0x80: {  	v9 =	vld [tilespmem:s3+$0x0]  }
0x81: {  	v10 =	vld [tilespmem:s3+$0x10]  }
0x82: {  	v7 =	vld.idx.msk [tilespmem:v7+s18+$0x0], $0xffff  }
0x83: {  	s6 =	sadd.s32 @p1 $0x100, s6;
	s25 =	simm.s32 $0x0;
	v8 =	vld.idx.msk [tilespmem:v8+s18+$0x0], $0xffff  }
0x84: {  	s26 =	sshll.u32 s2, $0xC;
	s25 =	smov.u32 @p1 s6  }
0x85: {  	s23 =	sshll.u32 s2, $0x8;
	s20 =	sand.u32 $0x3000, s20;
	s6 =	sand.u32 $0xC00, s25  }
0x86: {  	s25 =	sand.u32 $0x380, s24;
	s3 =	sor.u32 s28, s6;
	s6 =	sand.u32 $0x300, s23  }
0x87: {  	s20 =	sor.u32 s20, s3;
	s3 =	sand.u32 $0x1C000, s26;
	s28 =	sor.u32 s10, s6;
	v7 =	vsub.f32 v7, v9  }
0x88: {  	s20 =	sor.u32 s25, s20;
	s24 =	sor.u32 s3, s28;
	v8 =	vsub.f32 v8, v10  }
0x89: {  	s23 =	sshrl.u32 s24, $0x3;
	[tilespmem:s20+$0x13800] =	vst v7;
	s20 =	sadd.s32 $0x13800, s20  }
0x8a: {  	s25 =	simm.s32 $0x13800;
	[tilespmem:s20+$0x10] =	vst v8;
	s20 =	sadd.s32 s23, s12  }
0x8b: {  	[hbm4b:s20+s16] =	stream.strided.scatter [tilespmem:s25], [sflag:$0x3], $0x400, s22, s16, $0x38;
	[tilespmem:$0x19880] =	vst v63  }
0x8c: {  	s28 =	simm.s32 $0x13C00;
	s26 =	sadd.s32 $0x80, s20  }
0x8d: {  	[hbm4b:s26+s16] =	stream.strided.scatter [tilespmem:s28], [sflag:$0x3], $0x400, s22, s16, $0x38;
	[tilespmem:$0x19880] =	vst v63  }
0x8e: {  	s24 =	sadd.s32 $0x100, s20;
	s25 =	simm.s32 $0x14000  }
0x8f: {  	[hbm4b:s24+s16] =	stream.strided.scatter [tilespmem:s25], [sflag:$0x3], $0x400, s22, s16, $0x38;
	[tilespmem:$0x19880] =	vst v63  }
0x90: {  	s26 =	sadd.s32 $0x180, s20;
	s28 =	simm.s32 $0x14400  }
0x91: {  	[hbm4b:s26+s16] =	stream.strided.scatter [tilespmem:s28], [sflag:$0x3], $0x400, s22, s16, $0x38;
	[tilespmem:$0x19880] =	vst v63  }
0x92: {  	s23 =	sadd.s32 $0x20000, s20;
	s25 =	simm.s32 $0x14800  }
0x93: {  	[hbm4b:s23+s16] =	stream.strided.scatter [tilespmem:s25], [sflag:$0x3], $0x400, s22, s16, $0x38;
	[tilespmem:$0x19880] =	vst v63  }
0x94: {  	s26 =	sadd.s32 $0x80, s23;
	s28 =	simm.s32 $0x14C00  }
0x95: {  	[hbm4b:s26+s16] =	stream.strided.scatter [tilespmem:s28], [sflag:$0x3], $0x400, s22, s16, $0x38;
	[tilespmem:$0x19880] =	vst v63  }
0x96: {  	s26 =	sadd.s32 $0x100, s23;
	s28 =	simm.s32 $0x15000  }
0x97: {  	[hbm4b:s26+s16] =	stream.strided.scatter [tilespmem:s28], [sflag:$0x3], $0x400, s22, s16, $0x38;
	[tilespmem:$0x19880] =	vst v63  }
0x98: {  	s23 =	sadd.s32 $0x180, s23;
	s26 =	simm.s32 $0x15400  }
0x99: {  	[hbm4b:s23+s16] =	stream.strided.scatter [tilespmem:s26], [sflag:$0x3], $0x400, s22, s16, $0x38;
	[tilespmem:$0x19880] =	vst v63  }
0x9a: {  	s20 =	sadd.s32 $0x40000, s20;
	s28 =	simm.s32 $0x15800  }
0x9b: {  	[hbm4b:s20+s16] =	stream.strided.scatter [tilespmem:s28], [sflag:$0x3], $0x200, s22, s16, $0x38;
	[tilespmem:$0x19880] =	vst v63  }
0x9c: {  	s24 =	sadd.s32 $0x80, s20;
	s25 =	simm.s32 $0x15C00  }
0x9d: {  	[hbm4b:s24+s16] =	stream.strided.scatter [tilespmem:s25], [sflag:$0x3], $0x200, s22, s16, $0x38;
	[tilespmem:$0x19880] =	vst v63  }
0x9e: {  	s26 =	sadd.s32 $0x100, s20;
	s28 =	simm.s32 $0x16000  }
0x9f: {  	[hbm4b:s26+s16] =	stream.strided.scatter [tilespmem:s28], [sflag:$0x3], $0x200, s22, s16, $0x38;
	[tilespmem:$0x19880] =	vst v63  }
0xa0: {  	s20 =	sadd.s32 $0x180, s20;
	s25 =	simm.s32 $0x16400;
	s26 =	sshll.u32 s15, $0xB  }
0xa1: {  	[hbm4b:s20+s16] =	stream.strided.scatter [tilespmem:s25], [sflag:$0x3], $0x200, s22, s16, $0x38;
	[tilespmem:$0x19880] =	vst v63  }
0xa2: {  	s28 =	sshll.u32 s15, $0x7;
	s20 =	sand.u32 $0x3C000, s26  }
0xa3: {  	s15 =	sand.u32 $0x380, s28;
	s20 =	sadd.s32 s5, s20  }
0xa4: {  	s15 =	sor.u32 s15, s20  }
0xa5: {  	s15 =	sshrl.u32 s15, $0x3  }
0xa6: {  	s15 =	sadd.s32 s1, s15  }
0xa7: {  	[tilespmem:s18], [sflag:$0x1] =	stream.strided.gather [hbm4b:s15+s16], $0x800, s17, s16, $0x38;
	[tilespmem:$0x19880] =	vst v63  }
0xa8: {  	_ =	swait.ge [sflag:s14], $0x800  }
0xa9: {  	[sflag:s14] =	ssyncset.done $0x0  }
0xaa: {  	s15 =	simm.s32 @!p0 $0x4;
	[sflag:s14] =	ssyncadd.s32 $0xFFFFF800  }
0xab: {  	_ =	swait.ge @!p0 [sflag:s15], $0x2800  }
0xac: {  	[sflag:s15] =	ssyncset.done @!p0 $0x0  }
0xad: {  	[sflag:s15] =	ssyncadd.s32 @!p0 $0xFFFFD800  }
0xae: {  	v60 =	vld [tilespmem:s7+$0xFFFFFFF0]  }
0xaf: {  	v61 =	vld [tilespmem:s7+$0x0]  }
0xb0: {  	s15 =	simm.s32 $0x0  }
0xb1: {  	s23 =	sand.u32 $0x180, s15  }
0xb2: {  	s24 =	sand.u32 $0x60, s15;
	s20 =	sadd.s32 s23, s13  }
0xb3: {  	v11 =	vmul.f32 @p1 v6, v6;
	s20 =	sadd.s32 s24, s20  }
0xb4: {  	v4 =	vadd.f32 @p1 v6, v4;
	v62 =	vld [tilespmem:s20+$0x0]  }
0xb5: {  	v6 =	vmul.f32 @p1 v5, v5;
	v3 =	vadd.f32 @p1 v11, v3;
	v63 =	vld [tilespmem:s20+$0x10]  }
0xb6: {  	v4 =	vadd.f32 @p1 v5, v4;
	v9 =	vld.idx.msk [tilespmem:v60+s19+$0x0], $0xffff  }
0xb7: {  	v3 =	vadd.f32 @p1 v6, v3;
	v5 =	vld.idx.msk [tilespmem:v61+s19+$0x0], $0xffff  }
0xb8: {  	v2 =	vpsel p1, v4, v2;
	v6 =	vmul.f32 v7, v7  }
0xb9: {  	s8 =	smin.u32 s8, $0x3C;
	v1 =	vpsel p1, v3, v1;
	v2 =	vadd.f32 v7, v2;
	s25 =	sand.u32 $0xC00, s15  }
0xba: {  	s8 =	sadd.s32 $0x3, s8;
	v3 =	vmul.f32 v8, v8;
	v1 =	vadd.f32 v6, v1;
	s26 =	sand.u32 $0x3000, s15;
	s23 =	sor.u32 s24, s25  }
0xbb: {  	v2 =	vadd.f32 v8, v2;
	s28 =	sand.u32 $0x380, s15;
	s23 =	sor.u32 s26, s23;
	s24 =	simm.s32 $0x10;
	v4 =	vsub.f32 v9, v62  }
0xbc: {  	v1 =	vadd.f32 v3, v1;
	s20 =	simm.s32 $0x8;
	s25 =	sor.u32 s28, s23;
	s23 =	simm.s32 $0x0;
	v3 =	vsub.f32 v5, v63  }
.LBB2_10:
0xbd: {  	p0 =	sne.s32 s24, $0x9F8;
	[tilespmem:s25+$0x16800] =	vst v4;
	s25 =	sadd.s32 $0x16800, s25;
	v2 =	vadd.f32 v4, v2;
	v4 =	vmul.f32 v4, v4  }
0xbe: {  	s7 =	sadd.s32 $0x20, s7;
	[tilespmem:s25+$0x10] =	vst v3;
	v5 =	vmul.f32 v3, v3  }
0xbf: {  	v6 =	vld [tilespmem:s7+$0xFFFFFFF0];
	v2 =	vadd.f32 v3, v2;
	v1 =	vadd.f32 v4, v1  }
0xc0: {  	v3 =	vld [tilespmem:s7+$0x0]  }
0xc1: {  	v1 =	vadd.f32 v5, v1  }
0xc2: {  	s15 =	sadd.s32 $0x20, s15  }
0xc3: {  	s25 =	sand.u32 $0x180, s15  }
0xc4: {  	s26 =	sand.u32 $0x60, s15;
	s25 =	sadd.s32 s25, s13  }
0xc5: {  	s25 =	sadd.s32 s26, s25  }
0xc6: {  	v4 =	vld [tilespmem:s25+$0x0]  }
0xc7: {  	v5 =	vld.idx.msk [tilespmem:v6+s19+$0x0], $0xffff  }
0xc8: {  	v3 =	vld.idx.msk [tilespmem:v3+s19+$0x0], $0xffff  }
0xc9: {  	v6 =	vld [tilespmem:s25+$0x10]  }
.Ltmp6:
0xca: {  	s23 =	sadd.s32 $0x100, s23;
	(pc) =	sbr.rel @p0 .LBB2_10-.Ltmp6, $4  }
0xcb: {  	s25 =	sand.u32 $0xC00, s23  }
0xcc: {  	s28 =	sand.u32 $0x3000, s15;
	s25 =	sor.u32 s26, s25  }
0xcd: {  	s26 =	sand.u32 $0x380, s20;
	s20 =	smov.u32 s24;
	s25 =	sor.u32 s28, s25;
	v4 =	vsub.f32 v5, v4  }
0xce: {  	s24 =	sadd.s32 $0x8, s24;
	s25 =	sor.u32 s26, s25;
	v3 =	vsub.f32 v3, v6  }
0xcf: {  	[tilespmem:s25+$0x16800] =	vst v4;
	s24 =	sadd.s32 $0x16800, s25  }
0xd0: {  	s7 =	sadd.s32 $0x20, s7;
	[tilespmem:s24+$0x10] =	vst v3  }
0xd1: {  	v5 =	vld [tilespmem:s7+$0xFFFFFFF0]  }
0xd2: {  	v6 =	vld [tilespmem:s7+$0x0]  }
0xd3: {  	s25 =	sadd.s32 $0x20, s15  }
0xd4: {  	s15 =	sand.u32 $0x180, s25  }
0xd5: {  	s26 =	sand.u32 $0x60, s25;
	s15 =	sadd.s32 s15, s13  }
0xd6: {  	s15 =	sadd.s32 s26, s15  }
0xd7: {  	v7 =	vld [tilespmem:s15+$0x0]  }
0xd8: {  	v8 =	vld [tilespmem:s15+$0x10]  }
0xd9: {  	v5 =	vld.idx.msk [tilespmem:v5+s19+$0x0], $0xffff  }
0xda: {  	v6 =	vld.idx.msk [tilespmem:v6+s19+$0x0], $0xffff  }
0xdb: {  	s28 =	sadd.s32 $0x100, s23  }
0xdc: {  	s6 =	sor.u32 s11, s6;
	s15 =	sand.u32 $0xC00, s28  }
0xdd: {  	s3 =	sor.u32 s3, s6;
	s7 =	sand.u32 $0x3000, s25;
	s15 =	sor.u32 s26, s15  }
0xde: {  	s20 =	sand.u32 $0x380, s20;
	s3 =	sor.u32 s10, s3;
	s6 =	sor.u32 s7, s15;
	v5 =	vsub.f32 v5, v7  }
0xdf: {  	s3 =	sshrl.u32 s3, $0x3;
	s6 =	sor.u32 s20, s6;
	v6 =	vsub.f32 v6, v8  }
0xe0: {  	s3 =	sor.u32 $0x10, s3;
	[tilespmem:s6+$0x16800] =	vst v5;
	s6 =	sadd.s32 $0x16800, s6  }
0xe1: {  	s23 =	simm.s32 $0x16800;
	s3 =	sadd.s32 s4, s3;
	[tilespmem:s6+$0x10] =	vst v6  }
0xe2: {  	[hbm4b:s3+s16] =	stream.strided.scatter [tilespmem:s23], [sflag:$0x4], $0x400, s22, s16, $0x38;
	[tilespmem:$0x19880] =	vst v63  }
0xe3: {  	s25 =	simm.s32 $0x16C00;
	s24 =	sadd.s32 $0x80, s3  }
0xe4: {  	[hbm4b:s24+s16] =	stream.strided.scatter [tilespmem:s25], [sflag:$0x4], $0x400, s22, s16, $0x38;
	[tilespmem:$0x19880] =	vst v63  }
0xe5: {  	s28 =	simm.s32 $0x17000;
	s26 =	sadd.s32 $0x100, s3  }
0xe6: {  	[hbm4b:s26+s16] =	stream.strided.scatter [tilespmem:s28], [sflag:$0x4], $0x400, s22, s16, $0x38;
	[tilespmem:$0x19880] =	vst v63  }
0xe7: {  	s7 =	sadd.s32 $0x180, s3;
	s15 =	simm.s32 $0x17400  }
0xe8: {  	[hbm4b:s7+s16] =	stream.strided.scatter [tilespmem:s15], [sflag:$0x4], $0x400, s22, s16, $0x38;
	[tilespmem:$0x19880] =	vst v63  }
0xe9: {  	s20 =	sadd.s32 $0x20000, s3;
	s23 =	simm.s32 $0x17800  }
0xea: {  	[hbm4b:s20+s16] =	stream.strided.scatter [tilespmem:s23], [sflag:$0x4], $0x400, s22, s16, $0x38;
	[tilespmem:$0x19880] =	vst v63  }
0xeb: {  	s24 =	sadd.s32 $0x80, s20;
	s25 =	simm.s32 $0x17C00  }
0xec: {  	[hbm4b:s24+s16] =	stream.strided.scatter [tilespmem:s25], [sflag:$0x4], $0x400, s22, s16, $0x38;
	[tilespmem:$0x19880] =	vst v63  }
0xed: {  	s26 =	sadd.s32 $0x100, s20;
	s28 =	simm.s32 $0x18000  }
0xee: {  	[hbm4b:s26+s16] =	stream.strided.scatter [tilespmem:s28], [sflag:$0x4], $0x400, s22, s16, $0x38;
	[tilespmem:$0x19880] =	vst v63  }
0xef: {  	s6 =	sadd.s32 $0x180, s20;
	s20 =	simm.s32 $0x18400  }
0xf0: {  	[hbm4b:s6+s16] =	stream.strided.scatter [tilespmem:s20], [sflag:$0x4], $0x400, s22, s16, $0x38;
	[tilespmem:$0x19880] =	vst v63  }
0xf1: {  	s3 =	sadd.s32 $0x40000, s3;
	s23 =	simm.s32 $0x18800  }
0xf2: {  	[hbm4b:s3+s16] =	stream.strided.scatter [tilespmem:s23], [sflag:$0x4], $0x200, s22, s16, $0x38;
	[tilespmem:$0x19880] =	vst v63  }
0xf3: {  	s24 =	sadd.s32 $0x80, s3  }
0xf4: {  	[hbm4b:s24+s16] =	stream.strided.scatter [tilespmem:s29], [sflag:$0x4], $0x200, s22, s16, $0x38;
	[tilespmem:$0x19880] =	vst v63  }
0xf5: {  	s25 =	sadd.s32 $0x100, s3  }
0xf6: {  	v61 =	vmul.f32 v4, v4;
	[hbm4b:s25+s16] =	stream.strided.scatter [tilespmem:s30], [sflag:$0x4], $0x200, s22, s16, $0x38;
	[tilespmem:$0x19880] =	vst v63  }
0xf7: {  	s2 =	sadd.s32 $0x1, s2;
	s26 =	sshll.u32 s8, $0xB;
	s3 =	sadd.s32 $0x180, s3  }
0xf8: {  	v2 =	vadd.f32 v4, v2;
	v62 =	vmul.f32 v3, v3;
	v1 =	vadd.f32 v61, v1;
	[hbm4b:s3+s16] =	stream.strided.scatter [tilespmem:s31], [sflag:$0x4], $0x200, s22, s16, $0x38;
	[tilespmem:$0x19880] =	vst v63  }
0xf9: {  	p0 =	sne.s32 s2, $0x20;
	s28 =	sshll.u32 s8, $0x7;
	s3 =	sand.u32 $0x3C000, s26  }
.Ltmp7:
0xfa: {  	v2 =	vadd.f32 v3, v2;
	v1 =	vadd.f32 v62, v1;
	v3 =	vmul.f32 v5, v5;
	s6 =	sand.u32 $0x380, s28;
	s3 =	sadd.s32 s5, s3;
	(pc) =	sbr.rel @p0 .LBB2_4-.Ltmp7, $4  }
.Ltmp8:
0xfb: {  	s3 =	sor.u32 s6, s3;
	(pc) =	sbr.rel @!p0 .LBB2_12-.Ltmp8, $4  }
0xfc: {  	v2 =	vadd.f32 v5, v2;
	v63 =	vmul.f32 v6, v6;
	v1 =	vadd.f32 v3, v1;
	s3 =	sshrl.u32 s3, $0x3  }
0xfd: {  	s3 =	sadd.s32 s1, s3  }
0xfe: {  	v2 =	vadd.f32 v6, v2;
	v1 =	vadd.f32 v63, v1;
	[tilespmem:s19], [sflag:$0x2] =	stream.strided.gather [hbm4b:s3+s16], $0x800, s17, s16, $0x38;
	[tilespmem:$0x19880] =	vst v63  }
0xff: {  	_ = 	snop  }
.LBB2_6:
.Ltmp9:
0x100: {  	(pc) =	sbr.rel .LBB2_9-.Ltmp9, $3  }
0x101: {  	_ =	sdelay $0x1  }
0x102: {  	s20 =	simm.s32 $0x10010  }
0x103: {  	v4 =	vmov v2;
	v3 =	vmov v1;
	s23 =	simm.s32 $0x0;
	s6 =	simm.s32 $0x0;
	s24 =	simm.s32 $0x8  }
.LBB2_13:
0x104: {  	_ =	sfence.sel $0x180000  }
0x105: {  	[bflag:$0x0] =	sbarrier.arrive $0xFFFF  }
0x106: {  	_ =	strace $0x90000047  }
0x107: {  	s0 =	stileid.u32;
	[bflag:$0x2] =	sbarrier.arrive $0xFFFF  }
0x108: {  	p0 =	sne.s32 s0, $0x0;
	s0 =	rddreg [dreg:$0x3]  }
0x109: {  	s0 =	sadd.s32 @!p0 $0x100000, s0  }
0x10a: {  	[sflag:s0] =	ssyncadd.tile.s32 @!p0 $0x1;
	_ =	shalt  }
.Lfunc_end2:
_tile_overlayer_lowered:
.L_overlay_start_2:
0x10b: {  	(tag) =	ssettag $0x2  }
0x10c: {  	s0 =	rddreg [dreg:$0x0];
	s2 =	stileid.u32  }
0x10d: {  	s1 =	rddreg [dreg:$0x1];
	p0 =	sne.s32 s2, $0x0  }
0x10e: {  	s3 =	rddreg [dreg:$0x2];
	[bflag:$0x3] =	sbarrier.arrive $0xFFFF;
	s2 =	simm.s32 @!p0 $0x1C05  }
0x10f: {  	[timem:s3], [sflag:s2] =	dma.local @!p0 [hbm:s0], s1  }
0x110: {  	s0 =	simm.s32 @!p0 $0x5  }
0x111: {  	_ =	swait.ge @!p0 [sflag:s0], s1  }
0x112: {  	s1 =	ssub.s32 @!p0 $0x0, s1;
	[sflag:s0] =	ssyncset.done @!p0 $0x0  }
0x113: {  	[sflag:s0] =	ssyncadd.s32 @!p0 s1  }
0x114: {  	[bflag:$0x3] =	sbarrier.arrive $0xFFFF  }
0x115: {  	_ =	shalt  }

</sc_bundles>
